<compile_context>
chip_gen: v7x
topology: tpu7x:2x2x1
jax: 0.10.2.dev20260603
libtpu: 0.0.44.dev20260713+nightly
codegen_flags: <defaults>
</compile_context>

<pallas_src>
import functools

import jax
import jax.numpy as jnp
from jax import lax
from jax.experimental import pallas as pl
from jax.experimental.pallas import tpu as pltpu
from jax.experimental.pallas import tpu_sc as plsc

B = 4096
D = 10000
H = 128
Z = 32
K = 512
BLK = 256
EBLK = 256


def _enc_body(x_ref, w1_ref, b1_ref, w2_ref, b2_ref, e1t_ref, e2t_ref,
              subj_ref, ze_ref, idx_ref):
    x = x_ref[...]
    h = jnp.maximum(
        jnp.dot(x, w1_ref[...], preferred_element_type=jnp.float32)
        + b1_ref[...], 0.0)
    z = jnp.maximum(
        jnp.dot(h, w2_ref[...], preferred_element_type=jnp.float32)
        + b2_ref[...], 0.0)
    ze_ref[...] = z

    def nearest(et):
        d = jnp.zeros((BLK, K), jnp.float32)
        for zi in range(Z):
            diff = z[:, zi:zi + 1] - et[zi:zi + 1, :]
            d = d + diff * diff
        m = jnp.min(d, axis=1, keepdims=True)
        ii = lax.broadcasted_iota(jnp.int32, (BLK, K), 1)
        cand = jnp.where(d == m, ii, K)
        return jnp.min(cand, axis=1)

    k1 = nearest(e1t_ref[...])
    k2 = nearest(e2t_ref[...])
    subj = subj_ref[...][:, 0]
    idx_ref[...] = jnp.where(subj == 0, k1, K + k2)[:, None]


def _table_body(e_ref, wp1_ref, bp1_ref, wp2_ref, bp2_ref, out_ref):
    t = jnp.maximum(
        jnp.dot(e_ref[...], wp1_ref[...], preferred_element_type=jnp.float32)
        + bp1_ref[...], 0.0)
    res = (jnp.dot(t, wp2_ref[...], preferred_element_type=jnp.float32)
           + bp2_ref[...])
    out_ref[...] = jnp.concatenate(
        [res, jnp.zeros((EBLK, 128 - Z), jnp.float32)], axis=1)


def _make_sc_gather(n_rows, n_cols, n_batch, num_cores, num_subcores):
    nw = num_cores * num_subcores
    b_per_w = n_batch // nw
    mesh = plsc.VectorSubcoreMesh(core_axis_name="c", subcore_axis_name="s")

    @functools.partial(
        pl.kernel, mesh=mesh,
        out_type=jax.ShapeDtypeStruct((n_batch, n_cols), jnp.float32),
        scratch_types=[
            pltpu.VMEM((b_per_w,), jnp.int32),
            pltpu.VMEM((b_per_w, n_cols), jnp.float32),
            pltpu.SemaphoreType.DMA,
        ],
    )
    def gather(table_hbm, idx_hbm, out_hbm, idx_v, rows_v, sem):
        wid = lax.axis_index("s") * num_cores + lax.axis_index("c")
        base = wid * b_per_w
        pltpu.sync_copy(idx_hbm.at[pl.ds(base, b_per_w)], idx_v)
        pltpu.async_copy(table_hbm.at[idx_v], rows_v, sem).wait()
        pltpu.sync_copy(rows_v, out_hbm.at[pl.ds(base, b_per_w)])

    return gather


def kernel(data, subject, W1, b1, W2, b2, embeddings_1, embeddings_2,
           Wp1, bp1, Wp2, bp2):
    z_e, idx = pl.pallas_call(
        _enc_body,
        grid=(B // BLK,),
        in_specs=[
            pl.BlockSpec((BLK, D), lambda i: (i, 0)),
            pl.BlockSpec((D, H), lambda i: (0, 0)),
            pl.BlockSpec((1, H), lambda i: (0, 0)),
            pl.BlockSpec((H, Z), lambda i: (0, 0)),
            pl.BlockSpec((1, Z), lambda i: (0, 0)),
            pl.BlockSpec((Z, K), lambda i: (0, 0)),
            pl.BlockSpec((Z, K), lambda i: (0, 0)),
            pl.BlockSpec((BLK, 1), lambda i: (i, 0)),
        ],
        out_specs=[
            pl.BlockSpec((BLK, Z), lambda i: (i, 0)),
            pl.BlockSpec((BLK, 1), lambda i: (i, 0)),
        ],
        out_shape=[
            jax.ShapeDtypeStruct((B, Z), jnp.float32),
            jax.ShapeDtypeStruct((B, 1), jnp.int32),
        ],
    )(data, W1, b1.reshape(1, H), W2, b2.reshape(1, Z),
      embeddings_1.T, embeddings_2.T,
      subject.reshape(B, 1).astype(jnp.int32))

    E = jnp.concatenate([embeddings_1, embeddings_2], axis=0)
    table = pl.pallas_call(
        _table_body,
        grid=(2 * K // EBLK,),
        in_specs=[
            pl.BlockSpec((EBLK, Z), lambda i: (i, 0)),
            pl.BlockSpec((Z, D), lambda i: (0, 0)),
            pl.BlockSpec((1, D), lambda i: (0, 0)),
            pl.BlockSpec((D, Z), lambda i: (0, 0)),
            pl.BlockSpec((1, Z), lambda i: (0, 0)),
        ],
        out_specs=pl.BlockSpec((EBLK, 128), lambda i: (i, 0)),
        out_shape=jax.ShapeDtypeStruct((2 * K, 128), jnp.float32),
    )(E, Wp1, bp1.reshape(1, D), Wp2, bp2.reshape(1, Z))

    info = plsc.get_sparse_core_info()
    z_c_pad = _make_sc_gather(2 * K, 128, B, info.num_cores, info.num_subcores)(
        table, idx.reshape(B))
    return (z_e, z_c_pad[:, :Z])

# --- scband reference (transcript-rebuilt; emitter-appended) ---
"""Pipeline reference for scband-klclr-89146341196337 (READ-ONLY COPY).

The authoritative reference and input builder live on the scoring server;
editing this copy changes nothing except your own understanding.
"""

import jax, jax.numpy as jnp
import numpy as np

B = 4096
D = 10000
H = 128
Z = 32
K = 512


def setup_inputs(seed: int = 0) -> dict:
    key = jax.random.key(seed)
    ks = jax.random.split(key, 10)
    data = jax.random.uniform(ks[0], (B, D), dtype=jnp.float32)
    subject = jax.random.randint(ks[1], (B,), 0, 2)
    # encoder (NonNegativeCoder, 1 hidden layer): Linear(D,H) + ReLU, Linear(H,Z) + ReLU
    W1 = jax.random.normal(ks[2], (D, H), dtype=jnp.float32) * 0.02
    b1 = jnp.zeros((H,), jnp.float32)
    W2 = jax.random.normal(ks[3], (H, Z), dtype=jnp.float32) * 0.1
    b2 = jnp.zeros((Z,), jnp.float32)
    # VQ codebooks (centroids_1, centroids_2)
    embeddings_1 = jax.random.normal(ks[4], (K, Z), dtype=jnp.float32)
    embeddings_2 = jax.random.normal(ks[5], (K, Z), dtype=jnp.float32)
    # proj_head: Linear(Z,D) -> ReLU -> Linear(D,Z)
    Wp1 = jax.random.normal(ks[6], (Z, D), dtype=jnp.float32) * 0.05
    bp1 = jnp.zeros((D,), jnp.float32)
    Wp2 = jax.random.normal(ks[7], (D, Z), dtype=jnp.float32) * 0.02
    bp2 = jnp.zeros((Z,), jnp.float32)
    return {"data": data, "subject": subject, "W1": W1, "b1": b1, "W2": W2, "b2": b2,
            "embeddings_1": embeddings_1, "embeddings_2": embeddings_2,
            "Wp1": Wp1, "bp1": bp1, "Wp2": Wp2, "bp2": bp2}


def _t_dist_sim(z_dist, df=10):
    _factor = -((df + 1) / 2)
    dist_prob = jnp.power(1.0 + z_dist / df, _factor)
    dist_prob = dist_prob / jnp.sum(dist_prob, axis=1, keepdims=True)
    return dist_prob


def _cluster_quantize(z_e, emb):
    # squared euclidean distance to every centroid (broadcast, as in torch)
    _z_dist = (z_e[:, None, :] - emb[None, :, :]) ** 2
    z_dist = jnp.sum(_z_dist, axis=-1)
    dist_prob = _t_dist_sim(z_dist, df=10)
    k = jnp.argmax(dist_prob, axis=-1)
    z_q = jnp.take(emb, k, axis=0)  # gather: _get_embeddings
    return z_q


def reference(data, subject, W1, b1, W2, b2, embeddings_1, embeddings_2, Wp1, bp1, Wp2, bp2):
    x = data
    # NonNegativeCoder encoder (eval mode, dropout off)
    h = jax.nn.relu(x @ W1 + b1)
    z_e = jax.nn.relu(h @ W2 + b2)
    # per-sample quantization is independent across rows, so computing both
    # codebook assignments for all rows and selecting by subject mask is
    # mathematically identical to the torch boolean-indexed version
    z_q_1 = _cluster_quantize(z_e, embeddings_1)
    z_q_2 = _cluster_quantize(z_e, embeddings_2)
    z_q = jnp.where((subject == 0)[:, None], z_q_1, z_q_2)
    # proj_head
    z_c = jax.nn.relu(z_q @ Wp1 + bp1) @ Wp2 + bp2
    return (z_e, z_c)

if __name__ == "__main__":
    import jax
    _d = setup_inputs()
    print(jax.jit(kernel)(*tuple(_d.values())))

</pallas_src>

<mosaic_0001>
#map = affine_map<(d0, d1) -> (0, 0)>
#map1 = affine_map<(d0, d1) -> (0)>
module attributes {stable_mosaic.version = 14 : i64} {
  func.func @gather(%arg0: i32, %arg1: i32, %arg2: memref<1024x128xf32, #tpu.memory_space<hbm>>, %arg3: memref<4096xi32, #tpu.memory_space<hbm>>, %arg4: memref<4096x128xf32, #tpu.memory_space<hbm>>, %arg5: memref<128xi32, #tpu.memory_space<vmem>>, %arg6: memref<128x128xf32, #tpu.memory_space<vmem>>, %arg7: memref<!tpu.dma_semaphore, #tpu.memory_space<semaphore_mem>>) attributes {dimension_semantics = [#tpu.dimension_semantics<core_parallel>, #tpu.dimension_semantics<subcore_parallel>], iteration_bounds = array<i64: 2, 16>, scalar_prefetch = 0 : i64, scratch_operands = 3 : i64, tpu.core_type = #tpu.core_type<sc_vector_subcore>, window_params = [{transform_indices = #map}, {transform_indices = #map1}, {transform_indices = #map}]} {
    %mul3A = arith.constant 2 : i32
    %mul3A_0 = arith.muli %arg1, %mul3A : i32
    %add3A = arith.addi %mul3A_0, %arg0 : i32
    %mul3A_1 = arith.constant 128 : i32
    %mul3A_2 = arith.muli %add3A, %mul3A_1 : i32
    "tpu.region"() ({
      %run_scoped3A = tpu.sem_alloc : memref<!tpu.dma_semaphore, #tpu.memory_space<semaphore_mem>>
      %dma_start3A_7 = tpu.memref_slice %arg3[%mul3A_2] : memref<4096xi32, #tpu.memory_space<hbm>> -> memref<128xi32, #tpu.memory_space<hbm>>
      %dma_start3A_8 = tpu.memref_slice %arg3[%mul3A_2] : memref<4096xi32, #tpu.memory_space<hbm>> -> memref<128xi32, #tpu.memory_space<hbm>>
      tpu.enqueue_dma source(%dma_start3A_8 : memref<128xi32, #tpu.memory_space<hbm>>) target(%arg5 : memref<128xi32, #tpu.memory_space<vmem>>) target_semaphore(%run_scoped3A : memref<!tpu.dma_semaphore, #tpu.memory_space<semaphore_mem>>)
      %dma_wait3A_9 = tpu.memref_slice %arg3[%mul3A_2] : memref<4096xi32, #tpu.memory_space<hbm>> -> memref<128xi32, #tpu.memory_space<hbm>>
      %dma_wait3A_10 = tpu.memref_slice %arg3[%mul3A_2] : memref<4096xi32, #tpu.memory_space<hbm>> -> memref<128xi32, #tpu.memory_space<hbm>>
      tpu.wait_dma2 semaphore(%run_scoped3A : memref<!tpu.dma_semaphore, #tpu.memory_space<semaphore_mem>>) src(%dma_wait3A_10 : memref<128xi32, #tpu.memory_space<hbm>>) dst(%arg5 : memref<128xi32, #tpu.memory_space<vmem>>)
      tpu.yield
    }) : () -> ()
    %dma_start3A = arith.constant 0 : i32
    %dma_start3A_3 = arith.constant 0 : i32
    %dma_start3A_4 = tpu.memref_slice %arg2[%dma_start3A, %dma_start3A_3] : memref<1024x128xf32, #tpu.memory_space<hbm>> -> memref<1024x128xf32, #tpu.memory_space<hbm>>
    tpu.enqueue_indirect_dma source(%dma_start3A_4 : memref<1024x128xf32, #tpu.memory_space<hbm>>) target(%arg6 : memref<128x128xf32, #tpu.memory_space<vmem>>) offsets(%arg5 : memref<128xi32, #tpu.memory_space<vmem>>) semaphore(%arg7 : memref<!tpu.dma_semaphore, #tpu.memory_space<semaphore_mem>>)
    %dma_wait3A = arith.constant 0 : i32
    %dma_wait3A_5 = arith.constant 0 : i32
    %dma_wait3A_6 = tpu.memref_slice %arg2[%dma_wait3A, %dma_wait3A_5] : memref<1024x128xf32, #tpu.memory_space<hbm>> -> memref<1024x128xf32, #tpu.memory_space<hbm>>
    tpu.wait_indirect_dma semaphore(%arg7 : memref<!tpu.dma_semaphore, #tpu.memory_space<semaphore_mem>>) src(%dma_wait3A_6 : memref<1024x128xf32, #tpu.memory_space<hbm>>) dst(%arg6 : memref<128x128xf32, #tpu.memory_space<vmem>>)
    "tpu.region"() ({
      %run_scoped3A = tpu.sem_alloc : memref<!tpu.dma_semaphore, #tpu.memory_space<semaphore_mem>>
      %dma_start3A_7 = arith.constant 0 : i32
      %dma_start3A_8 = tpu.memref_slice %arg4[%mul3A_2, %dma_start3A_7] : memref<4096x128xf32, #tpu.memory_space<hbm>> -> memref<128x128xf32, #tpu.memory_space<hbm>>
      %dma_start3A_9 = arith.constant 0 : i32
      %dma_start3A_10 = tpu.memref_slice %arg4[%mul3A_2, %dma_start3A_9] : memref<4096x128xf32, #tpu.memory_space<hbm>> -> memref<128x128xf32, #tpu.memory_space<hbm>>
      tpu.enqueue_dma source(%arg6 : memref<128x128xf32, #tpu.memory_space<vmem>>) target(%dma_start3A_10 : memref<128x128xf32, #tpu.memory_space<hbm>>) target_semaphore(%run_scoped3A : memref<!tpu.dma_semaphore, #tpu.memory_space<semaphore_mem>>)
      %dma_wait3A_11 = arith.constant 0 : i32
      %dma_wait3A_12 = tpu.memref_slice %arg4[%mul3A_2, %dma_wait3A_11] : memref<4096x128xf32, #tpu.memory_space<hbm>> -> memref<128x128xf32, #tpu.memory_space<hbm>>
      %dma_wait3A_13 = arith.constant 0 : i32
      %dma_wait3A_14 = tpu.memref_slice %arg4[%mul3A_2, %dma_wait3A_13] : memref<4096x128xf32, #tpu.memory_space<hbm>> -> memref<128x128xf32, #tpu.memory_space<hbm>>
      tpu.wait_dma2 semaphore(%run_scoped3A : memref<!tpu.dma_semaphore, #tpu.memory_space<semaphore_mem>>) src(%arg6 : memref<128x128xf32, #tpu.memory_space<vmem>>) dst(%dma_wait3A_14 : memref<128x128xf32, #tpu.memory_space<hbm>>)
      tpu.yield
    }) : () -> ()
    return
  }
}

module attributes {stable_mosaic.version = 14 : i64} {
  func.func @_enc_body(%arg0: i32, %arg1: memref<256x10000xf32, #tpu.memory_space<vmem>>, %arg2: memref<10000x128xf32, #tpu.memory_space<vmem>>, %arg3: memref<1x128xf32, #tpu.memory_space<vmem>>, %arg4: memref<128x32xf32, #tpu.memory_space<vmem>>, %arg5: memref<1x32xf32, #tpu.memory_space<vmem>>, %arg6: memref<32x512xf32, #tpu.memory_space<vmem>>, %arg7: memref<32x512xf32, #tpu.memory_space<vmem>>, %arg8: memref<256x1xi32, #tpu.memory_space<vmem>>, %arg9: memref<256x32xf32, #tpu.memory_space<vmem>>, %arg10: memref<256x1xi32, #tpu.memory_space<vmem>>) attributes {dimension_semantics = [#tpu.dimension_semantics<arbitrary>], iteration_bounds = array<i64: 16>, scalar_prefetch = 0 : i64, scratch_operands = 0 : i64, tpu.core_type = #tpu.core_type<tc>, window_params = [{transform_indices = @transform_0, window_bounds = array<i64: 256, 10000>}, {pipeline_mode = #tpu.pipeline_mode<synchronous>, transform_indices = @transform_1, window_bounds = array<i64: 10000, 128>}, {pipeline_mode = #tpu.pipeline_mode<synchronous>, transform_indices = @transform_2, window_bounds = array<i64: 1, 128>}, {pipeline_mode = #tpu.pipeline_mode<synchronous>, transform_indices = @transform_3, window_bounds = array<i64: 128, 32>}, {pipeline_mode = #tpu.pipeline_mode<synchronous>, transform_indices = @transform_4, window_bounds = array<i64: 1, 32>}, {pipeline_mode = #tpu.pipeline_mode<synchronous>, transform_indices = @transform_5, window_bounds = array<i64: 32, 512>}, {pipeline_mode = #tpu.pipeline_mode<synchronous>, transform_indices = @transform_6, window_bounds = array<i64: 32, 512>}, {transform_indices = @transform_7, window_bounds = array<i64: 256, 1>}, {transform_indices = @transform_8, window_bounds = array<i64: 256, 32>}, {transform_indices = @transform_9, window_bounds = array<i64: 256, 1>}]} {
    %get3A = arith.constant 0 : index
    %get3A_0 = arith.constant 0 : index
    %get3A_1 = vector.load %arg1[%get3A, %get3A_0] : memref<256x10000xf32, #tpu.memory_space<vmem>>, vector<256x10000xf32>
    %get3A_2 = arith.constant 0 : index
    %get3A_3 = arith.constant 0 : index
    %get3A_4 = vector.load %arg2[%get3A_2, %get3A_3] : memref<10000x128xf32, #tpu.memory_space<vmem>>, vector<10000x128xf32>
    %dot_general3A = arith.constant dense<0.000000e+00> : vector<256x128xf32>
    %dot_general3A_5 = tpu.matmul %get3A_1, %get3A_4, %dot_general3A {dimension_numbers = #tpu.dot_dimension_numbers<[1], [0], [0], [1], [0, 0, 1, 1], [], []>, transpose_lhs_hint = false} : vector<256x10000xf32>, vector<10000x128xf32>, vector<256x128xf32> -> vector<256x128xf32>
    %get3A_6 = arith.constant 0 : index
    %get3A_7 = arith.constant 0 : index
    %get3A_8 = vector.load %arg3[%get3A_6, %get3A_7] : memref<1x128xf32, #tpu.memory_space<vmem>>, vector<1x128xf32>
    %add3A = vector.broadcast %get3A_8 : vector<1x128xf32> to vector<256x128xf32>
    %add3A_9 = arith.addf %dot_general3A_5, %add3A : vector<256x128xf32>
    %max3A = arith.constant 0.000000e+00 : f32
    %max3A_10 = vector.broadcast %max3A : f32 to vector<256x128xf32>
    %max3A_11 = arith.maximumf %add3A_9, %max3A_10 : vector<256x128xf32>
    %get3A_12 = arith.constant 0 : index
    %get3A_13 = arith.constant 0 : index
    %get3A_14 = vector.load %arg4[%get3A_12, %get3A_13] : memref<128x32xf32, #tpu.memory_space<vmem>>, vector<128x32xf32>
    %dot_general3A_15 = arith.constant dense<0.000000e+00> : vector<256x32xf32>
    %dot_general3A_16 = tpu.matmul %max3A_11, %get3A_14, %dot_general3A_15 {dimension_numbers = #tpu.dot_dimension_numbers<[1], [0], [0], [1], [0, 0, 1, 1], [], []>, transpose_lhs_hint = false} : vector<256x128xf32>, vector<128x32xf32>, vector<256x32xf32> -> vector<256x32xf32>
    %get3A_17 = arith.constant 0 : index
    %get3A_18 = arith.constant 0 : index
    %get3A_19 = vector.load %arg5[%get3A_17, %get3A_18] : memref<1x32xf32, #tpu.memory_space<vmem>>, vector<1x32xf32>
    %add3A_20 = vector.broadcast %get3A_19 : vector<1x32xf32> to vector<256x32xf32>
    %add3A_21 = arith.addf %dot_general3A_16, %add3A_20 : vector<256x32xf32>
    %max3A_22 = arith.constant 0.000000e+00 : f32
    %max3A_23 = vector.broadcast %max3A_22 : f32 to vector<256x32xf32>
    %max3A_24 = arith.maximumf %add3A_21, %max3A_23 : vector<256x32xf32>
    %swap3A = arith.constant 0 : index
    %swap3A_25 = arith.constant 0 : index
    %swap3A_26 = vector.load %arg9[%swap3A, %swap3A_25] : memref<256x32xf32, #tpu.memory_space<vmem>>, vector<256x32xf32>
    tpu.vector_store %arg9[%swap3A, %swap3A_25], %max3A_24 {strides = array<i32>} : memref<256x32xf32, #tpu.memory_space<vmem>>, vector<256x32xf32>,
    %get3A_27 = arith.constant 0 : index
    %get3A_28 = arith.constant 0 : index
    %get3A_29 = vector.load %arg6[%get3A_27, %get3A_28] : memref<32x512xf32, #tpu.memory_space<vmem>>, vector<32x512xf32>
    %broadcast_in_dim3A = arith.constant 0.000000e+00 : f32
    %broadcast_in_dim3A_30 = vector.broadcast %broadcast_in_dim3A : f32 to vector<256x512xf32>
    %slice3A = vector.extract_strided_slice %max3A_24 {offsets = [0, 0], sizes = [256, 1], strides = [1, 1]} : vector<256x32xf32> to vector<256x1xf32>
    %slice3A_31 = vector.extract_strided_slice %get3A_29 {offsets = [0, 0], sizes = [1, 512], strides = [1, 1]} : vector<32x512xf32> to vector<1x512xf32>
    %sub3A = vector.broadcast %slice3A : vector<256x1xf32> to vector<256x512xf32>
    %sub3A_32 = vector.broadcast %slice3A_31 : vector<1x512xf32> to vector<256x512xf32>
    %sub3A_33 = arith.subf %sub3A, %sub3A_32 : vector<256x512xf32>
    %mul3A = arith.mulf %sub3A_33, %sub3A_33 : vector<256x512xf32>
    %add3A_34 = arith.addf %broadcast_in_dim3A_30, %mul3A : vector<256x512xf32>
    %slice3A_35 = vector.extract_strided_slice %max3A_24 {offsets = [0, 1], sizes = [256, 1], strides = [1, 1]} : vector<256x32xf32> to vector<256x1xf32>
    %slice3A_36 = vector.extract_strided_slice %get3A_29 {offsets = [1, 0], sizes = [1, 512], strides = [1, 1]} : vector<32x512xf32> to vector<1x512xf32>
    %sub3A_37 = vector.broadcast %slice3A_35 : vector<256x1xf32> to vector<256x512xf32>
    %sub3A_38 = vector.broadcast %slice3A_36 : vector<1x512xf32> to vector<256x512xf32>
    %sub3A_39 = arith.subf %sub3A_37, %sub3A_38 : vector<256x512xf32>
    %mul3A_40 = arith.mulf %sub3A_39, %sub3A_39 : vector<256x512xf32>
    %add3A_41 = arith.addf %add3A_34, %mul3A_40 : vector<256x512xf32>
    %slice3A_42 = vector.extract_strided_slice %max3A_24 {offsets = [0, 2], sizes = [256, 1], strides = [1, 1]} : vector<256x32xf32> to vector<256x1xf32>
    %slice3A_43 = vector.extract_strided_slice %get3A_29 {offsets = [2, 0], sizes = [1, 512], strides = [1, 1]} : vector<32x512xf32> to vector<1x512xf32>
    %sub3A_44 = vector.broadcast %slice3A_42 : vector<256x1xf32> to vector<256x512xf32>
    %sub3A_45 = vector.broadcast %slice3A_43 : vector<1x512xf32> to vector<256x512xf32>
    %sub3A_46 = arith.subf %sub3A_44, %sub3A_45 : vector<256x512xf32>
    %mul3A_47 = arith.mulf %sub3A_46, %sub3A_46 : vector<256x512xf32>
    %add3A_48 = arith.addf %add3A_41, %mul3A_47 : vector<256x512xf32>
    %slice3A_49 = vector.extract_strided_slice %max3A_24 {offsets = [0, 3], sizes = [256, 1], strides = [1, 1]} : vector<256x32xf32> to vector<256x1xf32>
    %slice3A_50 = vector.extract_strided_slice %get3A_29 {offsets = [3, 0], sizes = [1, 512], strides = [1, 1]} : vector<32x512xf32> to vector<1x512xf32>
    %sub3A_51 = vector.broadcast %slice3A_49 : vector<256x1xf32> to vector<256x512xf32>
    %sub3A_52 = vector.broadcast %slice3A_50 : vector<1x512xf32> to vector<256x512xf32>
    %sub3A_53 = arith.subf %sub3A_51, %sub3A_52 : vector<256x512xf32>
    %mul3A_54 = arith.mulf %sub3A_53, %sub3A_53 : vector<256x512xf32>
    %add3A_55 = arith.addf %add3A_48, %mul3A_54 : vector<256x512xf32>
    %slice3A_56 = vector.extract_strided_slice %max3A_24 {offsets = [0, 4], sizes = [256, 1], strides = [1, 1]} : vector<256x32xf32> to vector<256x1xf32>
    %slice3A_57 = vector.extract_strided_slice %get3A_29 {offsets = [4, 0], sizes = [1, 512], strides = [1, 1]} : vector<32x512xf32> to vector<1x512xf32>
    %sub3A_58 = vector.broadcast %slice3A_56 : vector<256x1xf32> to vector<256x512xf32>
    %sub3A_59 = vector.broadcast %slice3A_57 : vector<1x512xf32> to vector<256x512xf32>
    %sub3A_60 = arith.subf %sub3A_58, %sub3A_59 : vector<256x512xf32>
    %mul3A_61 = arith.mulf %sub3A_60, %sub3A_60 : vector<256x512xf32>
    %add3A_62 = arith.addf %add3A_55, %mul3A_61 : vector<256x512xf32>
    %slice3A_63 = vector.extract_strided_slice %max3A_24 {offsets = [0, 5], sizes = [256, 1], strides = [1, 1]} : vector<256x32xf32> to vector<256x1xf32>
    %slice3A_64 = vector.extract_strided_slice %get3A_29 {offsets = [5, 0], sizes = [1, 512], strides = [1, 1]} : vector<32x512xf32> to vector<1x512xf32>
    %sub3A_65 = vector.broadcast %slice3A_63 : vector<256x1xf32> to vector<256x512xf32>
    %sub3A_66 = vector.broadcast %slice3A_64 : vector<1x512xf32> to vector<256x512xf32>
    %sub3A_67 = arith.subf %sub3A_65, %sub3A_66 : vector<256x512xf32>
    %mul3A_68 = arith.mulf %sub3A_67, %sub3A_67 : vector<256x512xf32>
    %add3A_69 = arith.addf %add3A_62, %mul3A_68 : vector<256x512xf32>
    %slice3A_70 = vector.extract_strided_slice %max3A_24 {offsets = [0, 6], sizes = [256, 1], strides = [1, 1]} : vector<256x32xf32> to vector<256x1xf32>
    %slice3A_71 = vector.extract_strided_slice %get3A_29 {offsets = [6, 0], sizes = [1, 512], strides = [1, 1]} : vector<32x512xf32> to vector<1x512xf32>
    %sub3A_72 = vector.broadcast %slice3A_70 : vector<256x1xf32> to vector<256x512xf32>
    %sub3A_73 = vector.broadcast %slice3A_71 : vector<1x512xf32> to vector<256x512xf32>
    %sub3A_74 = arith.subf %sub3A_72, %sub3A_73 : vector<256x512xf32>
    %mul3A_75 = arith.mulf %sub3A_74, %sub3A_74 : vector<256x512xf32>
    %add3A_76 = arith.addf %add3A_69, %mul3A_75 : vector<256x512xf32>
    %slice3A_77 = vector.extract_strided_slice %max3A_24 {offsets = [0, 7], sizes = [256, 1], strides = [1, 1]} : vector<256x32xf32> to vector<256x1xf32>
    %slice3A_78 = vector.extract_strided_slice %get3A_29 {offsets = [7, 0], sizes = [1, 512], strides = [1, 1]} : vector<32x512xf32> to vector<1x512xf32>
    %sub3A_79 = vector.broadcast %slice3A_77 : vector<256x1xf32> to vector<256x512xf32>
    %sub3A_80 = vector.broadcast %slice3A_78 : vector<1x512xf32> to vector<256x512xf32>
    %sub3A_81 = arith.subf %sub3A_79, %sub3A_80 : vector<256x512xf32>
    %mul3A_82 = arith.mulf %sub3A_81, %sub3A_81 : vector<256x512xf32>
    %add3A_83 = arith.addf %add3A_76, %mul3A_82 : vector<256x512xf32>
    %slice3A_84 = vector.extract_strided_slice %max3A_24 {offsets = [0, 8], sizes = [256, 1], strides = [1, 1]} : vector<256x32xf32> to vector<256x1xf32>
    %slice3A_85 = vector.extract_strided_slice %get3A_29 {offsets = [8, 0], sizes = [1, 512], strides = [1, 1]} : vector<32x512xf32> to vector<1x512xf32>
    %sub3A_86 = vector.broadcast %slice3A_84 : vector<256x1xf32> to vector<256x512xf32>
    %sub3A_87 = vector.broadcast %slice3A_85 : vector<1x512xf32> to vector<256x512xf32>
    %sub3A_88 = arith.subf %sub3A_86, %sub3A_87 : vector<256x512xf32>
    %mul3A_89 = arith.mulf %sub3A_88, %sub3A_88 : vector<256x512xf32>
    %add3A_90 = arith.addf %add3A_83, %mul3A_89 : vector<256x512xf32>
    %slice3A_91 = vector.extract_strided_slice %max3A_24 {offsets = [0, 9], sizes = [256, 1], strides = [1, 1]} : vector<256x32xf32> to vector<256x1xf32>
    %slice3A_92 = vector.extract_strided_slice %get3A_29 {offsets = [9, 0], sizes = [1, 512], strides = [1, 1]} : vector<32x512xf32> to vector<1x512xf32>
    %sub3A_93 = vector.broadcast %slice3A_91 : vector<256x1xf32> to vector<256x512xf32>
    %sub3A_94 = vector.broadcast %slice3A_92 : vector<1x512xf32> to vector<256x512xf32>
    %sub3A_95 = arith.subf %sub3A_93, %sub3A_94 : vector<256x512xf32>
    %mul3A_96 = arith.mulf %sub3A_95, %sub3A_95 : vector<256x512xf32>
    %add3A_97 = arith.addf %add3A_90, %mul3A_96 : vector<256x512xf32>
    %slice3A_98 = vector.extract_strided_slice %max3A_24 {offsets = [0, 10], sizes = [256, 1], strides = [1, 1]} : vector<256x32xf32> to vector<256x1xf32>
    %slice3A_99 = vector.extract_strided_slice %get3A_29 {offsets = [10, 0], sizes = [1, 512], strides = [1, 1]} : vector<32x512xf32> to vector<1x512xf32>
    %sub3A_100 = vector.broadcast %slice3A_98 : vector<256x1xf32> to vector<256x512xf32>
    %sub3A_101 = vector.broadcast %slice3A_99 : vector<1x512xf32> to vector<256x512xf32>
    %sub3A_102 = arith.subf %sub3A_100, %sub3A_101 : vector<256x512xf32>
    %mul3A_103 = arith.mulf %sub3A_102, %sub3A_102 : vector<256x512xf32>
    %add3A_104 = arith.addf %add3A_97, %mul3A_103 : vector<256x512xf32>
    %slice3A_105 = vector.extract_strided_slice %max3A_24 {offsets = [0, 11], sizes = [256, 1], strides = [1, 1]} : vector<256x32xf32> to vector<256x1xf32>
    %slice3A_106 = vector.extract_strided_slice %get3A_29 {offsets = [11, 0], sizes = [1, 512], strides = [1, 1]} : vector<32x512xf32> to vector<1x512xf32>
    %sub3A_107 = vector.broadcast %slice3A_105 : vector<256x1xf32> to vector<256x512xf32>
    %sub3A_108 = vector.broadcast %slice3A_106 : vector<1x512xf32> to vector<256x512xf32>
    %sub3A_109 = arith.subf %sub3A_107, %sub3A_108 : vector<256x512xf32>
    %mul3A_110 = arith.mulf %sub3A_109, %sub3A_109 : vector<256x512xf32>
    %add3A_111 = arith.addf %add3A_104, %mul3A_110 : vector<256x512xf32>
    %slice3A_112 = vector.extract_strided_slice %max3A_24 {offsets = [0, 12], sizes = [256, 1], strides = [1, 1]} : vector<256x32xf32> to vector<256x1xf32>
    %slice3A_113 = vector.extract_strided_slice %get3A_29 {offsets = [12, 0], sizes = [1, 512], strides = [1, 1]} : vector<32x512xf32> to vector<1x512xf32>
    %sub3A_114 = vector.broadcast %slice3A_112 : vector<256x1xf32> to vector<256x512xf32>
    %sub3A_115 = vector.broadcast %slice3A_113 : vector<1x512xf32> to vector<256x512xf32>
    %sub3A_116 = arith.subf %sub3A_114, %sub3A_115 : vector<256x512xf32>
    %mul3A_117 = arith.mulf %sub3A_116, %sub3A_116 : vector<256x512xf32>
    %add3A_118 = arith.addf %add3A_111, %mul3A_117 : vector<256x512xf32>
    %slice3A_119 = vector.extract_strided_slice %max3A_24 {offsets = [0, 13], sizes = [256, 1], strides = [1, 1]} : vector<256x32xf32> to vector<256x1xf32>
    %slice3A_120 = vector.extract_strided_slice %get3A_29 {offsets = [13, 0], sizes = [1, 512], strides = [1, 1]} : vector<32x512xf32> to vector<1x512xf32>
    %sub3A_121 = vector.broadcast %slice3A_119 : vector<256x1xf32> to vector<256x512xf32>
    %sub3A_122 = vector.broadcast %slice3A_120 : vector<1x512xf32> to vector<256x512xf32>
    %sub3A_123 = arith.subf %sub3A_121, %sub3A_122 : vector<256x512xf32>
    %mul3A_124 = arith.mulf %sub3A_123, %sub3A_123 : vector<256x512xf32>
    %add3A_125 = arith.addf %add3A_118, %mul3A_124 : vector<256x512xf32>
    %slice3A_126 = vector.extract_strided_slice %max3A_24 {offsets = [0, 14], sizes = [256, 1], strides = [1, 1]} : vector<256x32xf32> to vector<256x1xf32>
    %slice3A_127 = vector.extract_strided_slice %get3A_29 {offsets = [14, 0], sizes = [1, 512], strides = [1, 1]} : vector<32x512xf32> to vector<1x512xf32>
    %sub3A_128 = vector.broadcast %slice3A_126 : vector<256x1xf32> to vector<256x512xf32>
    %sub3A_129 = vector.broadcast %slice3A_127 : vector<1x512xf32> to vector<256x512xf32>
    %sub3A_130 = arith.subf %sub3A_128, %sub3A_129 : vector<256x512xf32>
    %mul3A_131 = arith.mulf %sub3A_130, %sub3A_130 : vector<256x512xf32>
    %add3A_132 = arith.addf %add3A_125, %mul3A_131 : vector<256x512xf32>
    %slice3A_133 = vector.extract_strided_slice %max3A_24 {offsets = [0, 15], sizes = [256, 1], strides = [1, 1]} : vector<256x32xf32> to vector<256x1xf32>
    %slice3A_134 = vector.extract_strided_slice %get3A_29 {offsets = [15, 0], sizes = [1, 512], strides = [1, 1]} : vector<32x512xf32> to vector<1x512xf32>
    %sub3A_135 = vector.broadcast %slice3A_133 : vector<256x1xf32> to vector<256x512xf32>
    %sub3A_136 = vector.broadcast %slice3A_134 : vector<1x512xf32> to vector<256x512xf32>
    %sub3A_137 = arith.subf %sub3A_135, %sub3A_136 : vector<256x512xf32>
    %mul3A_138 = arith.mulf %sub3A_137, %sub3A_137 : vector<256x512xf32>
    %add3A_139 = arith.addf %add3A_132, %mul3A_138 : vector<256x512xf32>
    %slice3A_140 = vector.extract_strided_slice %max3A_24 {offsets = [0, 16], sizes = [256, 1], strides = [1, 1]} : vector<256x32xf32> to vector<256x1xf32>
    %slice3A_141 = vector.extract_strided_slice %get3A_29 {offsets = [16, 0], sizes = [1, 512], strides = [1, 1]} : vector<32x512xf32> to vector<1x512xf32>
    %sub3A_142 = vector.broadcast %slice3A_140 : vector<256x1xf32> to vector<256x512xf32>
    %sub3A_143 = vector.broadcast %slice3A_141 : vector<1x512xf32> to vector<256x512xf32>
    %sub3A_144 = arith.subf %sub3A_142, %sub3A_143 : vector<256x512xf32>
    %mul3A_145 = arith.mulf %sub3A_144, %sub3A_144 : vector<256x512xf32>
    %add3A_146 = arith.addf %add3A_139, %mul3A_145 : vector<256x512xf32>
    %slice3A_147 = vector.extract_strided_slice %max3A_24 {offsets = [0, 17], sizes = [256, 1], strides = [1, 1]} : vector<256x32xf32> to vector<256x1xf32>
    %slice3A_148 = vector.extract_strided_slice %get3A_29 {offsets = [17, 0], sizes = [1, 512], strides = [1, 1]} : vector<32x512xf32> to vector<1x512xf32>
    %sub3A_149 = vector.broadcast %slice3A_147 : vector<256x1xf32> to vector<256x512xf32>
    %sub3A_150 = vector.broadcast %slice3A_148 : vector<1x512xf32> to vector<256x512xf32>
    %sub3A_151 = arith.subf %sub3A_149, %sub3A_150 : vector<256x512xf32>
    %mul3A_152 = arith.mulf %sub3A_151, %sub3A_151 : vector<256x512xf32>
    %add3A_153 = arith.addf %add3A_146, %mul3A_152 : vector<256x512xf32>
    %slice3A_154 = vector.extract_strided_slice %max3A_24 {offsets = [0, 18], sizes = [256, 1], strides = [1, 1]} : vector<256x32xf32> to vector<256x1xf32>
    %slice3A_155 = vector.extract_strided_slice %get3A_29 {offsets = [18, 0], sizes = [1, 512], strides = [1, 1]} : vector<32x512xf32> to vector<1x512xf32>
    %sub3A_156 = vector.broadcast %slice3A_154 : vector<256x1xf32> to vector<256x512xf32>
    %sub3A_157 = vector.broadcast %slice3A_155 : vector<1x512xf32> to vector<256x512xf32>
    %sub3A_158 = arith.subf %sub3A_156, %sub3A_157 : vector<256x512xf32>
    %mul3A_159 = arith.mulf %sub3A_158, %sub3A_158 : vector<256x512xf32>
    %add3A_160 = arith.addf %add3A_153, %mul3A_159 : vector<256x512xf32>
    %slice3A_161 = vector.extract_strided_slice %max3A_24 {offsets = [0, 19], sizes = [256, 1], strides = [1, 1]} : vector<256x32xf32> to vector<256x1xf32>
    %slice3A_162 = vector.extract_strided_slice %get3A_29 {offsets = [19, 0], sizes = [1, 512], strides = [1, 1]} : vector<32x512xf32> to vector<1x512xf32>
    %sub3A_163 = vector.broadcast %slice3A_161 : vector<256x1xf32> to vector<256x512xf32>
    %sub3A_164 = vector.broadcast %slice3A_162 : vector<1x512xf32> to vector<256x512xf32>
    %sub3A_165 = arith.subf %sub3A_163, %sub3A_164 : vector<256x512xf32>
    %mul3A_166 = arith.mulf %sub3A_165, %sub3A_165 : vector<256x512xf32>
    %add3A_167 = arith.addf %add3A_160, %mul3A_166 : vector<256x512xf32>
    %slice3A_168 = vector.extract_strided_slice %max3A_24 {offsets = [0, 20], sizes = [256, 1], strides = [1, 1]} : vector<256x32xf32> to vector<256x1xf32>
    %slice3A_169 = vector.extract_strided_slice %get3A_29 {offsets = [20, 0], sizes = [1, 512], strides = [1, 1]} : vector<32x512xf32> to vector<1x512xf32>
    %sub3A_170 = vector.broadcast %slice3A_168 : vector<256x1xf32> to vector<256x512xf32>
    %sub3A_171 = vector.broadcast %slice3A_169 : vector<1x512xf32> to vector<256x512xf32>
    %sub3A_172 = arith.subf %sub3A_170, %sub3A_171 : vector<256x512xf32>
    %mul3A_173 = arith.mulf %sub3A_172, %sub3A_172 : vector<256x512xf32>
    %add3A_174 = arith.addf %add3A_167, %mul3A_173 : vector<256x512xf32>
    %slice3A_175 = vector.extract_strided_slice %max3A_24 {offsets = [0, 21], sizes = [256, 1], strides = [1, 1]} : vector<256x32xf32> to vector<256x1xf32>
    %slice3A_176 = vector.extract_strided_slice %get3A_29 {offsets = [21, 0], sizes = [1, 512], strides = [1, 1]} : vector<32x512xf32> to vector<1x512xf32>
    %sub3A_177 = vector.broadcast %slice3A_175 : vector<256x1xf32> to vector<256x512xf32>
    %sub3A_178 = vector.broadcast %slice3A_176 : vector<1x512xf32> to vector<256x512xf32>
    %sub3A_179 = arith.subf %sub3A_177, %sub3A_178 : vector<256x512xf32>
    %mul3A_180 = arith.mulf %sub3A_179, %sub3A_179 : vector<256x512xf32>
    %add3A_181 = arith.addf %add3A_174, %mul3A_180 : vector<256x512xf32>
    %slice3A_182 = vector.extract_strided_slice %max3A_24 {offsets = [0, 22], sizes = [256, 1], strides = [1, 1]} : vector<256x32xf32> to vector<256x1xf32>
    %slice3A_183 = vector.extract_strided_slice %get3A_29 {offsets = [22, 0], sizes = [1, 512], strides = [1, 1]} : vector<32x512xf32> to vector<1x512xf32>
    %sub3A_184 = vector.broadcast %slice3A_182 : vector<256x1xf32> to vector<256x512xf32>
    %sub3A_185 = vector.broadcast %slice3A_183 : vector<1x512xf32> to vector<256x512xf32>
    %sub3A_186 = arith.subf %sub3A_184, %sub3A_185 : vector<256x512xf32>
    %mul3A_187 = arith.mulf %sub3A_186, %sub3A_186 : vector<256x512xf32>
    %add3A_188 = arith.addf %add3A_181, %mul3A_187 : vector<256x512xf32>
    %slice3A_189 = vector.extract_strided_slice %max3A_24 {offsets = [0, 23], sizes = [256, 1], strides = [1, 1]} : vector<256x32xf32> to vector<256x1xf32>
    %slice3A_190 = vector.extract_strided_slice %get3A_29 {offsets = [23, 0], sizes = [1, 512], strides = [1, 1]} : vector<32x512xf32> to vector<1x512xf32>
    %sub3A_191 = vector.broadcast %slice3A_189 : vector<256x1xf32> to vector<256x512xf32>
    %sub3A_192 = vector.broadcast %slice3A_190 : vector<1x512xf32> to vector<256x512xf32>
    %sub3A_193 = arith.subf %sub3A_191, %sub3A_192 : vector<256x512xf32>
    %mul3A_194 = arith.mulf %sub3A_193, %sub3A_193 : vector<256x512xf32>
    %add3A_195 = arith.addf %add3A_188, %mul3A_194 : vector<256x512xf32>
    %slice3A_196 = vector.extract_strided_slice %max3A_24 {offsets = [0, 24], sizes = [256, 1], strides = [1, 1]} : vector<256x32xf32> to vector<256x1xf32>
    %slice3A_197 = vector.extract_strided_slice %get3A_29 {offsets = [24, 0], sizes = [1, 512], strides = [1, 1]} : vector<32x512xf32> to vector<1x512xf32>
    %sub3A_198 = vector.broadcast %slice3A_196 : vector<256x1xf32> to vector<256x512xf32>
    %sub3A_199 = vector.broadcast %slice3A_197 : vector<1x512xf32> to vector<256x512xf32>
    %sub3A_200 = arith.subf %sub3A_198, %sub3A_199 : vector<256x512xf32>
    %mul3A_201 = arith.mulf %sub3A_200, %sub3A_200 : vector<256x512xf32>
    %add3A_202 = arith.addf %add3A_195, %mul3A_201 : vector<256x512xf32>
    %slice3A_203 = vector.extract_strided_slice %max3A_24 {offsets = [0, 25], sizes = [256, 1], strides = [1, 1]} : vector<256x32xf32> to vector<256x1xf32>
    %slice3A_204 = vector.extract_strided_slice %get3A_29 {offsets = [25, 0], sizes = [1, 512], strides = [1, 1]} : vector<32x512xf32> to vector<1x512xf32>
    %sub3A_205 = vector.broadcast %slice3A_203 : vector<256x1xf32> to vector<256x512xf32>
    %sub3A_206 = vector.broadcast %slice3A_204 : vector<1x512xf32> to vector<256x512xf32>
    %sub3A_207 = arith.subf %sub3A_205, %sub3A_206 : vector<256x512xf32>
    %mul3A_208 = arith.mulf %sub3A_207, %sub3A_207 : vector<256x512xf32>
    %add3A_209 = arith.addf %add3A_202, %mul3A_208 : vector<256x512xf32>
    %slice3A_210 = vector.extract_strided_slice %max3A_24 {offsets = [0, 26], sizes = [256, 1], strides = [1, 1]} : vector<256x32xf32> to vector<256x1xf32>
    %slice3A_211 = vector.extract_strided_slice %get3A_29 {offsets = [26, 0], sizes = [1, 512], strides = [1, 1]} : vector<32x512xf32> to vector<1x512xf32>
    %sub3A_212 = vector.broadcast %slice3A_210 : vector<256x1xf32> to vector<256x512xf32>
    %sub3A_213 = vector.broadcast %slice3A_211 : vector<1x512xf32> to vector<256x512xf32>
    %sub3A_214 = arith.subf %sub3A_212, %sub3A_213 : vector<256x512xf32>
    %mul3A_215 = arith.mulf %sub3A_214, %sub3A_214 : vector<256x512xf32>
    %add3A_216 = arith.addf %add3A_209, %mul3A_215 : vector<256x512xf32>
    %slice3A_217 = vector.extract_strided_slice %max3A_24 {offsets = [0, 27], sizes = [256, 1], strides = [1, 1]} : vector<256x32xf32> to vector<256x1xf32>
    %slice3A_218 = vector.extract_strided_slice %get3A_29 {offsets = [27, 0], sizes = [1, 512], strides = [1, 1]} : vector<32x512xf32> to vector<1x512xf32>
    %sub3A_219 = vector.broadcast %slice3A_217 : vector<256x1xf32> to vector<256x512xf32>
    %sub3A_220 = vector.broadcast %slice3A_218 : vector<1x512xf32> to vector<256x512xf32>
    %sub3A_221 = arith.subf %sub3A_219, %sub3A_220 : vector<256x512xf32>
    %mul3A_222 = arith.mulf %sub3A_221, %sub3A_221 : vector<256x512xf32>
    %add3A_223 = arith.addf %add3A_216, %mul3A_222 : vector<256x512xf32>
    %slice3A_224 = vector.extract_strided_slice %max3A_24 {offsets = [0, 28], sizes = [256, 1], strides = [1, 1]} : vector<256x32xf32> to vector<256x1xf32>
    %slice3A_225 = vector.extract_strided_slice %get3A_29 {offsets = [28, 0], sizes = [1, 512], strides = [1, 1]} : vector<32x512xf32> to vector<1x512xf32>
    %sub3A_226 = vector.broadcast %slice3A_224 : vector<256x1xf32> to vector<256x512xf32>
    %sub3A_227 = vector.broadcast %slice3A_225 : vector<1x512xf32> to vector<256x512xf32>
    %sub3A_228 = arith.subf %sub3A_226, %sub3A_227 : vector<256x512xf32>
    %mul3A_229 = arith.mulf %sub3A_228, %sub3A_228 : vector<256x512xf32>
    %add3A_230 = arith.addf %add3A_223, %mul3A_229 : vector<256x512xf32>
    %slice3A_231 = vector.extract_strided_slice %max3A_24 {offsets = [0, 29], sizes = [256, 1], strides = [1, 1]} : vector<256x32xf32> to vector<256x1xf32>
    %slice3A_232 = vector.extract_strided_slice %get3A_29 {offsets = [29, 0], sizes = [1, 512], strides = [1, 1]} : vector<32x512xf32> to vector<1x512xf32>
    %sub3A_233 = vector.broadcast %slice3A_231 : vector<256x1xf32> to vector<256x512xf32>
    %sub3A_234 = vector.broadcast %slice3A_232 : vector<1x512xf32> to vector<256x512xf32>
    %sub3A_235 = arith.subf %sub3A_233, %sub3A_234 : vector<256x512xf32>
    %mul3A_236 = arith.mulf %sub3A_235, %sub3A_235 : vector<256x512xf32>
    %add3A_237 = arith.addf %add3A_230, %mul3A_236 : vector<256x512xf32>
    %slice3A_238 = vector.extract_strided_slice %max3A_24 {offsets = [0, 30], sizes = [256, 1], strides = [1, 1]} : vector<256x32xf32> to vector<256x1xf32>
    %slice3A_239 = vector.extract_strided_slice %get3A_29 {offsets = [30, 0], sizes = [1, 512], strides = [1, 1]} : vector<32x512xf32> to vector<1x512xf32>
    %sub3A_240 = vector.broadcast %slice3A_238 : vector<256x1xf32> to vector<256x512xf32>
    %sub3A_241 = vector.broadcast %slice3A_239 : vector<1x512xf32> to vector<256x512xf32>
    %sub3A_242 = arith.subf %sub3A_240, %sub3A_241 : vector<256x512xf32>
    %mul3A_243 = arith.mulf %sub3A_242, %sub3A_242 : vector<256x512xf32>
    %add3A_244 = arith.addf %add3A_237, %mul3A_243 : vector<256x512xf32>
    %slice3A_245 = vector.extract_strided_slice %max3A_24 {offsets = [0, 31], sizes = [256, 1], strides = [1, 1]} : vector<256x32xf32> to vector<256x1xf32>
    %slice3A_246 = vector.extract_strided_slice %get3A_29 {offsets = [31, 0], sizes = [1, 512], strides = [1, 1]} : vector<32x512xf32> to vector<1x512xf32>
    %sub3A_247 = vector.broadcast %slice3A_245 : vector<256x1xf32> to vector<256x512xf32>
    %sub3A_248 = vector.broadcast %slice3A_246 : vector<1x512xf32> to vector<256x512xf32>
    %sub3A_249 = arith.subf %sub3A_247, %sub3A_248 : vector<256x512xf32>
    %mul3A_250 = arith.mulf %sub3A_249, %sub3A_249 : vector<256x512xf32>
    %add3A_251 = arith.addf %add3A_244, %mul3A_250 : vector<256x512xf32>
    %reduce_min3A = arith.constant dense<0x7F800000> : vector<256xf32>
    %reduce_min3A_252 = vector.multi_reduction <minimumf>, %add3A_251, %reduce_min3A [1] : vector<256x512xf32> to vector<256xf32>
    %broadcast_in_dim3A_253 = vector.shape_cast %reduce_min3A_252 : vector<256xf32> to vector<256x1xf32>
    %iota3A = tpu.iota {dimensions = array<i32: 1>} : vector<256x512xi32>
    %eq3A = vector.broadcast %broadcast_in_dim3A_253 : vector<256x1xf32> to vector<256x512xf32>
    %eq3A_254 = arith.cmpf oeq, %add3A_251, %eq3A : vector<256x512xf32>
    %jit3A = arith.constant 512 : i32
    %broadcast_in_dim3A_255 = vector.broadcast %jit3A : i32 to vector<256x512xi32>
    %select_n3A = arith.select %eq3A_254, %iota3A, %broadcast_in_dim3A_255 : vector<256x512xi1>, vector<256x512xi32>
    %reduce_min3A_256 = arith.constant dense<2147483647> : vector<256xi32>
    %reduce_min3A_257 = vector.multi_reduction <minsi>, %select_n3A, %reduce_min3A_256 [1] : vector<256x512xi32> to vector<256xi32>
    %get3A_258 = arith.constant 0 : index
    %get3A_259 = arith.constant 0 : index
    %get3A_260 = vector.load %arg7[%get3A_258, %get3A_259] : memref<32x512xf32, #tpu.memory_space<vmem>>, vector<32x512xf32>
    %broadcast_in_dim3A_261 = arith.constant 0.000000e+00 : f32
    %broadcast_in_dim3A_262 = vector.broadcast %broadcast_in_dim3A_261 : f32 to vector<256x512xf32>
    %slice3A_263 = vector.extract_strided_slice %max3A_24 {offsets = [0, 0], sizes = [256, 1], strides = [1, 1]} : vector<256x32xf32> to vector<256x1xf32>
    %slice3A_264 = vector.extract_strided_slice %get3A_260 {offsets = [0, 0], sizes = [1, 512], strides = [1, 1]} : vector<32x512xf32> to vector<1x512xf32>
    %sub3A_265 = vector.broadcast %slice3A_263 : vector<256x1xf32> to vector<256x512xf32>
    %sub3A_266 = vector.broadcast %slice3A_264 : vector<1x512xf32> to vector<256x512xf32>
    %sub3A_267 = arith.subf %sub3A_265, %sub3A_266 : vector<256x512xf32>
    %mul3A_268 = arith.mulf %sub3A_267, %sub3A_267 : vector<256x512xf32>
    %add3A_269 = arith.addf %broadcast_in_dim3A_262, %mul3A_268 : vector<256x512xf32>
    %slice3A_270 = vector.extract_strided_slice %max3A_24 {offsets = [0, 1], sizes = [256, 1], strides = [1, 1]} : vector<256x32xf32> to vector<256x1xf32>
    %slice3A_271 = vector.extract_strided_slice %get3A_260 {offsets = [1, 0], sizes = [1, 512], strides = [1, 1]} : vector<32x512xf32> to vector<1x512xf32>
    %sub3A_272 = vector.broadcast %slice3A_270 : vector<256x1xf32> to vector<256x512xf32>
    %sub3A_273 = vector.broadcast %slice3A_271 : vector<1x512xf32> to vector<256x512xf32>
    %sub3A_274 = arith.subf %sub3A_272, %sub3A_273 : vector<256x512xf32>
    %mul3A_275 = arith.mulf %sub3A_274, %sub3A_274 : vector<256x512xf32>
    %add3A_276 = arith.addf %add3A_269, %mul3A_275 : vector<256x512xf32>
    %slice3A_277 = vector.extract_strided_slice %max3A_24 {offsets = [0, 2], sizes = [256, 1], strides = [1, 1]} : vector<256x32xf32> to vector<256x1xf32>
    %slice3A_278 = vector.extract_strided_slice %get3A_260 {offsets = [2, 0], sizes = [1, 512], strides = [1, 1]} : vector<32x512xf32> to vector<1x512xf32>
    %sub3A_279 = vector.broadcast %slice3A_277 : vector<256x1xf32> to vector<256x512xf32>
    %sub3A_280 = vector.broadcast %slice3A_278 : vector<1x512xf32> to vector<256x512xf32>
    %sub3A_281 = arith.subf %sub3A_279, %sub3A_280 : vector<256x512xf32>
    %mul3A_282 = arith.mulf %sub3A_281, %sub3A_281 : vector<256x512xf32>
    %add3A_283 = arith.addf %add3A_276, %mul3A_282 : vector<256x512xf32>
    %slice3A_284 = vector.extract_strided_slice %max3A_24 {offsets = [0, 3], sizes = [256, 1], strides = [1, 1]} : vector<256x32xf32> to vector<256x1xf32>
    %slice3A_285 = vector.extract_strided_slice %get3A_260 {offsets = [3, 0], sizes = [1, 512], strides = [1, 1]} : vector<32x512xf32> to vector<1x512xf32>
    %sub3A_286 = vector.broadcast %slice3A_284 : vector<256x1xf32> to vector<256x512xf32>
    %sub3A_287 = vector.broadcast %slice3A_285 : vector<1x512xf32> to vector<256x512xf32>
    %sub3A_288 = arith.subf %sub3A_286, %sub3A_287 : vector<256x512xf32>
    %mul3A_289 = arith.mulf %sub3A_288, %sub3A_288 : vector<256x512xf32>
    %add3A_290 = arith.addf %add3A_283, %mul3A_289 : vector<256x512xf32>
    %slice3A_291 = vector.extract_strided_slice %max3A_24 {offsets = [0, 4], sizes = [256, 1], strides = [1, 1]} : vector<256x32xf32> to vector<256x1xf32>
    %slice3A_292 = vector.extract_strided_slice %get3A_260 {offsets = [4, 0], sizes = [1, 512], strides = [1, 1]} : vector<32x512xf32> to vector<1x512xf32>
    %sub3A_293 = vector.broadcast %slice3A_291 : vector<256x1xf32> to vector<256x512xf32>
    %sub3A_294 = vector.broadcast %slice3A_292 : vector<1x512xf32> to vector<256x512xf32>
    %sub3A_295 = arith.subf %sub3A_293, %sub3A_294 : vector<256x512xf32>
    %mul3A_296 = arith.mulf %sub3A_295, %sub3A_295 : vector<256x512xf32>
    %add3A_297 = arith.addf %add3A_290, %mul3A_296 : vector<256x512xf32>
    %slice3A_298 = vector.extract_strided_slice %max3A_24 {offsets = [0, 5], sizes = [256, 1], strides = [1, 1]} : vector<256x32xf32> to vector<256x1xf32>
    %slice3A_299 = vector.extract_strided_slice %get3A_260 {offsets = [5, 0], sizes = [1, 512], strides = [1, 1]} : vector<32x512xf32> to vector<1x512xf32>
    %sub3A_300 = vector.broadcast %slice3A_298 : vector<256x1xf32> to vector<256x512xf32>
    %sub3A_301 = vector.broadcast %slice3A_299 : vector<1x512xf32> to vector<256x512xf32>
    %sub3A_302 = arith.subf %sub3A_300, %sub3A_301 : vector<256x512xf32>
    %mul3A_303 = arith.mulf %sub3A_302, %sub3A_302 : vector<256x512xf32>
    %add3A_304 = arith.addf %add3A_297, %mul3A_303 : vector<256x512xf32>
    %slice3A_305 = vector.extract_strided_slice %max3A_24 {offsets = [0, 6], sizes = [256, 1], strides = [1, 1]} : vector<256x32xf32> to vector<256x1xf32>
    %slice3A_306 = vector.extract_strided_slice %get3A_260 {offsets = [6, 0], sizes = [1, 512], strides = [1, 1]} : vector<32x512xf32> to vector<1x512xf32>
    %sub3A_307 = vector.broadcast %slice3A_305 : vector<256x1xf32> to vector<256x512xf32>
    %sub3A_308 = vector.broadcast %slice3A_306 : vector<1x512xf32> to vector<256x512xf32>
    %sub3A_309 = arith.subf %sub3A_307, %sub3A_308 : vector<256x512xf32>
    %mul3A_310 = arith.mulf %sub3A_309, %sub3A_309 : vector<256x512xf32>
    %add3A_311 = arith.addf %add3A_304, %mul3A_310 : vector<256x512xf32>
    %slice3A_312 = vector.extract_strided_slice %max3A_24 {offsets = [0, 7], sizes = [256, 1], strides = [1, 1]} : vector<256x32xf32> to vector<256x1xf32>
    %slice3A_313 = vector.extract_strided_slice %get3A_260 {offsets = [7, 0], sizes = [1, 512], strides = [1, 1]} : vector<32x512xf32> to vector<1x512xf32>
    %sub3A_314 = vector.broadcast %slice3A_312 : vector<256x1xf32> to vector<256x512xf32>
    %sub3A_315 = vector.broadcast %slice3A_313 : vector<1x512xf32> to vector<256x512xf32>
    %sub3A_316 = arith.subf %sub3A_314, %sub3A_315 : vector<256x512xf32>
    %mul3A_317 = arith.mulf %sub3A_316, %sub3A_316 : vector<256x512xf32>
    %add3A_318 = arith.addf %add3A_311, %mul3A_317 : vector<256x512xf32>
    %slice3A_319 = vector.extract_strided_slice %max3A_24 {offsets = [0, 8], sizes = [256, 1], strides = [1, 1]} : vector<256x32xf32> to vector<256x1xf32>
    %slice3A_320 = vector.extract_strided_slice %get3A_260 {offsets = [8, 0], sizes = [1, 512], strides = [1, 1]} : vector<32x512xf32> to vector<1x512xf32>
    %sub3A_321 = vector.broadcast %slice3A_319 : vector<256x1xf32> to vector<256x512xf32>
    %sub3A_322 = vector.broadcast %slice3A_320 : vector<1x512xf32> to vector<256x512xf32>
    %sub3A_323 = arith.subf %sub3A_321, %sub3A_322 : vector<256x512xf32>
    %mul3A_324 = arith.mulf %sub3A_323, %sub3A_323 : vector<256x512xf32>
    %add3A_325 = arith.addf %add3A_318, %mul3A_324 : vector<256x512xf32>
    %slice3A_326 = vector.extract_strided_slice %max3A_24 {offsets = [0, 9], sizes = [256, 1], strides = [1, 1]} : vector<256x32xf32> to vector<256x1xf32>
    %slice3A_327 = vector.extract_strided_slice %get3A_260 {offsets = [9, 0], sizes = [1, 512], strides = [1, 1]} : vector<32x512xf32> to vector<1x512xf32>
    %sub3A_328 = vector.broadcast %slice3A_326 : vector<256x1xf32> to vector<256x512xf32>
    %sub3A_329 = vector.broadcast %slice3A_327 : vector<1x512xf32> to vector<256x512xf32>
    %sub3A_330 = arith.subf %sub3A_328, %sub3A_329 : vector<256x512xf32>
    %mul3A_331 = arith.mulf %sub3A_330, %sub3A_330 : vector<256x512xf32>
    %add3A_332 = arith.addf %add3A_325, %mul3A_331 : vector<256x512xf32>
    %slice3A_333 = vector.extract_strided_slice %max3A_24 {offsets = [0, 10], sizes = [256, 1], strides = [1, 1]} : vector<256x32xf32> to vector<256x1xf32>
    %slice3A_334 = vector.extract_strided_slice %get3A_260 {offsets = [10, 0], sizes = [1, 512], strides = [1, 1]} : vector<32x512xf32> to vector<1x512xf32>
    %sub3A_335 = vector.broadcast %slice3A_333 : vector<256x1xf32> to vector<256x512xf32>
    %sub3A_336 = vector.broadcast %slice3A_334 : vector<1x512xf32> to vector<256x512xf32>
    %sub3A_337 = arith.subf %sub3A_335, %sub3A_336 : vector<256x512xf32>
    %mul3A_338 = arith.mulf %sub3A_337, %sub3A_337 : vector<256x512xf32>
    %add3A_339 = arith.addf %add3A_332, %mul3A_338 : vector<256x512xf32>
    %slice3A_340 = vector.extract_strided_slice %max3A_24 {offsets = [0, 11], sizes = [256, 1], strides = [1, 1]} : vector<256x32xf32> to vector<256x1xf32>
    %slice3A_341 = vector.extract_strided_slice %get3A_260 {offsets = [11, 0], sizes = [1, 512], strides = [1, 1]} : vector<32x512xf32> to vector<1x512xf32>
    %sub3A_342 = vector.broadcast %slice3A_340 : vector<256x1xf32> to vector<256x512xf32>
    %sub3A_343 = vector.broadcast %slice3A_341 : vector<1x512xf32> to vector<256x512xf32>
    %sub3A_344 = arith.subf %sub3A_342, %sub3A_343 : vector<256x512xf32>
    %mul3A_345 = arith.mulf %sub3A_344, %sub3A_344 : vector<256x512xf32>
    %add3A_346 = arith.addf %add3A_339, %mul3A_345 : vector<256x512xf32>
    %slice3A_347 = vector.extract_strided_slice %max3A_24 {offsets = [0, 12], sizes = [256, 1], strides = [1, 1]} : vector<256x32xf32> to vector<256x1xf32>
    %slice3A_348 = vector.extract_strided_slice %get3A_260 {offsets = [12, 0], sizes = [1, 512], strides = [1, 1]} : vector<32x512xf32> to vector<1x512xf32>
    %sub3A_349 = vector.broadcast %slice3A_347 : vector<256x1xf32> to vector<256x512xf32>
    %sub3A_350 = vector.broadcast %slice3A_348 : vector<1x512xf32> to vector<256x512xf32>
    %sub3A_351 = arith.subf %sub3A_349, %sub3A_350 : vector<256x512xf32>
    %mul3A_352 = arith.mulf %sub3A_351, %sub3A_351 : vector<256x512xf32>
    %add3A_353 = arith.addf %add3A_346, %mul3A_352 : vector<256x512xf32>
    %slice3A_354 = vector.extract_strided_slice %max3A_24 {offsets = [0, 13], sizes = [256, 1], strides = [1, 1]} : vector<256x32xf32> to vector<256x1xf32>
    %slice3A_355 = vector.extract_strided_slice %get3A_260 {offsets = [13, 0], sizes = [1, 512], strides = [1, 1]} : vector<32x512xf32> to vector<1x512xf32>
    %sub3A_356 = vector.broadcast %slice3A_354 : vector<256x1xf32> to vector<256x512xf32>
    %sub3A_357 = vector.broadcast %slice3A_355 : vector<1x512xf32> to vector<256x512xf32>
    %sub3A_358 = arith.subf %sub3A_356, %sub3A_357 : vector<256x512xf32>
    %mul3A_359 = arith.mulf %sub3A_358, %sub3A_358 : vector<256x512xf32>
    %add3A_360 = arith.addf %add3A_353, %mul3A_359 : vector<256x512xf32>
    %slice3A_361 = vector.extract_strided_slice %max3A_24 {offsets = [0, 14], sizes = [256, 1], strides = [1, 1]} : vector<256x32xf32> to vector<256x1xf32>
    %slice3A_362 = vector.extract_strided_slice %get3A_260 {offsets = [14, 0], sizes = [1, 512], strides = [1, 1]} : vector<32x512xf32> to vector<1x512xf32>
    %sub3A_363 = vector.broadcast %slice3A_361 : vector<256x1xf32> to vector<256x512xf32>
    %sub3A_364 = vector.broadcast %slice3A_362 : vector<1x512xf32> to vector<256x512xf32>
    %sub3A_365 = arith.subf %sub3A_363, %sub3A_364 : vector<256x512xf32>
    %mul3A_366 = arith.mulf %sub3A_365, %sub3A_365 : vector<256x512xf32>
    %add3A_367 = arith.addf %add3A_360, %mul3A_366 : vector<256x512xf32>
    %slice3A_368 = vector.extract_strided_slice %max3A_24 {offsets = [0, 15], sizes = [256, 1], strides = [1, 1]} : vector<256x32xf32> to vector<256x1xf32>
    %slice3A_369 = vector.extract_strided_slice %get3A_260 {offsets = [15, 0], sizes = [1, 512], strides = [1, 1]} : vector<32x512xf32> to vector<1x512xf32>
    %sub3A_370 = vector.broadcast %slice3A_368 : vector<256x1xf32> to vector<256x512xf32>
    %sub3A_371 = vector.broadcast %slice3A_369 : vector<1x512xf32> to vector<256x512xf32>
    %sub3A_372 = arith.subf %sub3A_370, %sub3A_371 : vector<256x512xf32>
    %mul3A_373 = arith.mulf %sub3A_372, %sub3A_372 : vector<256x512xf32>
    %add3A_374 = arith.addf %add3A_367, %mul3A_373 : vector<256x512xf32>
    %slice3A_375 = vector.extract_strided_slice %max3A_24 {offsets = [0, 16], sizes = [256, 1], strides = [1, 1]} : vector<256x32xf32> to vector<256x1xf32>
    %slice3A_376 = vector.extract_strided_slice %get3A_260 {offsets = [16, 0], sizes = [1, 512], strides = [1, 1]} : vector<32x512xf32> to vector<1x512xf32>
    %sub3A_377 = vector.broadcast %slice3A_375 : vector<256x1xf32> to vector<256x512xf32>
    %sub3A_378 = vector.broadcast %slice3A_376 : vector<1x512xf32> to vector<256x512xf32>
    %sub3A_379 = arith.subf %sub3A_377, %sub3A_378 : vector<256x512xf32>
    %mul3A_380 = arith.mulf %sub3A_379, %sub3A_379 : vector<256x512xf32>
    %add3A_381 = arith.addf %add3A_374, %mul3A_380 : vector<256x512xf32>
    %slice3A_382 = vector.extract_strided_slice %max3A_24 {offsets = [0, 17], sizes = [256, 1], strides = [1, 1]} : vector<256x32xf32> to vector<256x1xf32>
    %slice3A_383 = vector.extract_strided_slice %get3A_260 {offsets = [17, 0], sizes = [1, 512], strides = [1, 1]} : vector<32x512xf32> to vector<1x512xf32>
    %sub3A_384 = vector.broadcast %slice3A_382 : vector<256x1xf32> to vector<256x512xf32>
    %sub3A_385 = vector.broadcast %slice3A_383 : vector<1x512xf32> to vector<256x512xf32>
    %sub3A_386 = arith.subf %sub3A_384, %sub3A_385 : vector<256x512xf32>
    %mul3A_387 = arith.mulf %sub3A_386, %sub3A_386 : vector<256x512xf32>
    %add3A_388 = arith.addf %add3A_381, %mul3A_387 : vector<256x512xf32>
    %slice3A_389 = vector.extract_strided_slice %max3A_24 {offsets = [0, 18], sizes = [256, 1], strides = [1, 1]} : vector<256x32xf32> to vector<256x1xf32>
    %slice3A_390 = vector.extract_strided_slice %get3A_260 {offsets = [18, 0], sizes = [1, 512], strides = [1, 1]} : vector<32x512xf32> to vector<1x512xf32>
    %sub3A_391 = vector.broadcast %slice3A_389 : vector<256x1xf32> to vector<256x512xf32>
    %sub3A_392 = vector.broadcast %slice3A_390 : vector<1x512xf32> to vector<256x512xf32>
    %sub3A_393 = arith.subf %sub3A_391, %sub3A_392 : vector<256x512xf32>
    %mul3A_394 = arith.mulf %sub3A_393, %sub3A_393 : vector<256x512xf32>
    %add3A_395 = arith.addf %add3A_388, %mul3A_394 : vector<256x512xf32>
    %slice3A_396 = vector.extract_strided_slice %max3A_24 {offsets = [0, 19], sizes = [256, 1], strides = [1, 1]} : vector<256x32xf32> to vector<256x1xf32>
    %slice3A_397 = vector.extract_strided_slice %get3A_260 {offsets = [19, 0], sizes = [1, 512], strides = [1, 1]} : vector<32x512xf32> to vector<1x512xf32>
    %sub3A_398 = vector.broadcast %slice3A_396 : vector<256x1xf32> to vector<256x512xf32>
    %sub3A_399 = vector.broadcast %slice3A_397 : vector<1x512xf32> to vector<256x512xf32>
    %sub3A_400 = arith.subf %sub3A_398, %sub3A_399 : vector<256x512xf32>
    %mul3A_401 = arith.mulf %sub3A_400, %sub3A_400 : vector<256x512xf32>
    %add3A_402 = arith.addf %add3A_395, %mul3A_401 : vector<256x512xf32>
    %slice3A_403 = vector.extract_strided_slice %max3A_24 {offsets = [0, 20], sizes = [256, 1], strides = [1, 1]} : vector<256x32xf32> to vector<256x1xf32>
    %slice3A_404 = vector.extract_strided_slice %get3A_260 {offsets = [20, 0], sizes = [1, 512], strides = [1, 1]} : vector<32x512xf32> to vector<1x512xf32>
    %sub3A_405 = vector.broadcast %slice3A_403 : vector<256x1xf32> to vector<256x512xf32>
    %sub3A_406 = vector.broadcast %slice3A_404 : vector<1x512xf32> to vector<256x512xf32>
    %sub3A_407 = arith.subf %sub3A_405, %sub3A_406 : vector<256x512xf32>
    %mul3A_408 = arith.mulf %sub3A_407, %sub3A_407 : vector<256x512xf32>
    %add3A_409 = arith.addf %add3A_402, %mul3A_408 : vector<256x512xf32>
    %slice3A_410 = vector.extract_strided_slice %max3A_24 {offsets = [0, 21], sizes = [256, 1], strides = [1, 1]} : vector<256x32xf32> to vector<256x1xf32>
    %slice3A_411 = vector.extract_strided_slice %get3A_260 {offsets = [21, 0], sizes = [1, 512], strides = [1, 1]} : vector<32x512xf32> to vector<1x512xf32>
    %sub3A_412 = vector.broadcast %slice3A_410 : vector<256x1xf32> to vector<256x512xf32>
    %sub3A_413 = vector.broadcast %slice3A_411 : vector<1x512xf32> to vector<256x512xf32>
    %sub3A_414 = arith.subf %sub3A_412, %sub3A_413 : vector<256x512xf32>
    %mul3A_415 = arith.mulf %sub3A_414, %sub3A_414 : vector<256x512xf32>
    %add3A_416 = arith.addf %add3A_409, %mul3A_415 : vector<256x512xf32>
    %slice3A_417 = vector.extract_strided_slice %max3A_24 {offsets = [0, 22], sizes = [256, 1], strides = [1, 1]} : vector<256x32xf32> to vector<256x1xf32>
    %slice3A_418 = vector.extract_strided_slice %get3A_260 {offsets = [22, 0], sizes = [1, 512], strides = [1, 1]} : vector<32x512xf32> to vector<1x512xf32>
    %sub3A_419 = vector.broadcast %slice3A_417 : vector<256x1xf32> to vector<256x512xf32>
    %sub3A_420 = vector.broadcast %slice3A_418 : vector<1x512xf32> to vector<256x512xf32>
    %sub3A_421 = arith.subf %sub3A_419, %sub3A_420 : vector<256x512xf32>
    %mul3A_422 = arith.mulf %sub3A_421, %sub3A_421 : vector<256x512xf32>
    %add3A_423 = arith.addf %add3A_416, %mul3A_422 : vector<256x512xf32>
    %slice3A_424 = vector.extract_strided_slice %max3A_24 {offsets = [0, 23], sizes = [256, 1], strides = [1, 1]} : vector<256x32xf32> to vector<256x1xf32>
    %slice3A_425 = vector.extract_strided_slice %get3A_260 {offsets = [23, 0], sizes = [1, 512], strides = [1, 1]} : vector<32x512xf32> to vector<1x512xf32>
    %sub3A_426 = vector.broadcast %slice3A_424 : vector<256x1xf32> to vector<256x512xf32>
    %sub3A_427 = vector.broadcast %slice3A_425 : vector<1x512xf32> to vector<256x512xf32>
    %sub3A_428 = arith.subf %sub3A_426, %sub3A_427 : vector<256x512xf32>
    %mul3A_429 = arith.mulf %sub3A_428, %sub3A_428 : vector<256x512xf32>
    %add3A_430 = arith.addf %add3A_423, %mul3A_429 : vector<256x512xf32>
    %slice3A_431 = vector.extract_strided_slice %max3A_24 {offsets = [0, 24], sizes = [256, 1], strides = [1, 1]} : vector<256x32xf32> to vector<256x1xf32>
    %slice3A_432 = vector.extract_strided_slice %get3A_260 {offsets = [24, 0], sizes = [1, 512], strides = [1, 1]} : vector<32x512xf32> to vector<1x512xf32>
    %sub3A_433 = vector.broadcast %slice3A_431 : vector<256x1xf32> to vector<256x512xf32>
    %sub3A_434 = vector.broadcast %slice3A_432 : vector<1x512xf32> to vector<256x512xf32>
    %sub3A_435 = arith.subf %sub3A_433, %sub3A_434 : vector<256x512xf32>
    %mul3A_436 = arith.mulf %sub3A_435, %sub3A_435 : vector<256x512xf32>
    %add3A_437 = arith.addf %add3A_430, %mul3A_436 : vector<256x512xf32>
    %slice3A_438 = vector.extract_strided_slice %max3A_24 {offsets = [0, 25], sizes = [256, 1], strides = [1, 1]} : vector<256x32xf32> to vector<256x1xf32>
    %slice3A_439 = vector.extract_strided_slice %get3A_260 {offsets = [25, 0], sizes = [1, 512], strides = [1, 1]} : vector<32x512xf32> to vector<1x512xf32>
    %sub3A_440 = vector.broadcast %slice3A_438 : vector<256x1xf32> to vector<256x512xf32>
    %sub3A_441 = vector.broadcast %slice3A_439 : vector<1x512xf32> to vector<256x512xf32>
    %sub3A_442 = arith.subf %sub3A_440, %sub3A_441 : vector<256x512xf32>
    %mul3A_443 = arith.mulf %sub3A_442, %sub3A_442 : vector<256x512xf32>
    %add3A_444 = arith.addf %add3A_437, %mul3A_443 : vector<256x512xf32>
    %slice3A_445 = vector.extract_strided_slice %max3A_24 {offsets = [0, 26], sizes = [256, 1], strides = [1, 1]} : vector<256x32xf32> to vector<256x1xf32>
    %slice3A_446 = vector.extract_strided_slice %get3A_260 {offsets = [26, 0], sizes = [1, 512], strides = [1, 1]} : vector<32x512xf32> to vector<1x512xf32>
    %sub3A_447 = vector.broadcast %slice3A_445 : vector<256x1xf32> to vector<256x512xf32>
    %sub3A_448 = vector.broadcast %slice3A_446 : vector<1x512xf32> to vector<256x512xf32>
    %sub3A_449 = arith.subf %sub3A_447, %sub3A_448 : vector<256x512xf32>
    %mul3A_450 = arith.mulf %sub3A_449, %sub3A_449 : vector<256x512xf32>
    %add3A_451 = arith.addf %add3A_444, %mul3A_450 : vector<256x512xf32>
    %slice3A_452 = vector.extract_strided_slice %max3A_24 {offsets = [0, 27], sizes = [256, 1], strides = [1, 1]} : vector<256x32xf32> to vector<256x1xf32>
    %slice3A_453 = vector.extract_strided_slice %get3A_260 {offsets = [27, 0], sizes = [1, 512], strides = [1, 1]} : vector<32x512xf32> to vector<1x512xf32>
    %sub3A_454 = vector.broadcast %slice3A_452 : vector<256x1xf32> to vector<256x512xf32>
    %sub3A_455 = vector.broadcast %slice3A_453 : vector<1x512xf32> to vector<256x512xf32>
    %sub3A_456 = arith.subf %sub3A_454, %sub3A_455 : vector<256x512xf32>
    %mul3A_457 = arith.mulf %sub3A_456, %sub3A_456 : vector<256x512xf32>
    %add3A_458 = arith.addf %add3A_451, %mul3A_457 : vector<256x512xf32>
    %slice3A_459 = vector.extract_strided_slice %max3A_24 {offsets = [0, 28], sizes = [256, 1], strides = [1, 1]} : vector<256x32xf32> to vector<256x1xf32>
    %slice3A_460 = vector.extract_strided_slice %get3A_260 {offsets = [28, 0], sizes = [1, 512], strides = [1, 1]} : vector<32x512xf32> to vector<1x512xf32>
    %sub3A_461 = vector.broadcast %slice3A_459 : vector<256x1xf32> to vector<256x512xf32>
    %sub3A_462 = vector.broadcast %slice3A_460 : vector<1x512xf32> to vector<256x512xf32>
    %sub3A_463 = arith.subf %sub3A_461, %sub3A_462 : vector<256x512xf32>
    %mul3A_464 = arith.mulf %sub3A_463, %sub3A_463 : vector<256x512xf32>
    %add3A_465 = arith.addf %add3A_458, %mul3A_464 : vector<256x512xf32>
    %slice3A_466 = vector.extract_strided_slice %max3A_24 {offsets = [0, 29], sizes = [256, 1], strides = [1, 1]} : vector<256x32xf32> to vector<256x1xf32>
    %slice3A_467 = vector.extract_strided_slice %get3A_260 {offsets = [29, 0], sizes = [1, 512], strides = [1, 1]} : vector<32x512xf32> to vector<1x512xf32>
    %sub3A_468 = vector.broadcast %slice3A_466 : vector<256x1xf32> to vector<256x512xf32>
    %sub3A_469 = vector.broadcast %slice3A_467 : vector<1x512xf32> to vector<256x512xf32>
    %sub3A_470 = arith.subf %sub3A_468, %sub3A_469 : vector<256x512xf32>
    %mul3A_471 = arith.mulf %sub3A_470, %sub3A_470 : vector<256x512xf32>
    %add3A_472 = arith.addf %add3A_465, %mul3A_471 : vector<256x512xf32>
    %slice3A_473 = vector.extract_strided_slice %max3A_24 {offsets = [0, 30], sizes = [256, 1], strides = [1, 1]} : vector<256x32xf32> to vector<256x1xf32>
    %slice3A_474 = vector.extract_strided_slice %get3A_260 {offsets = [30, 0], sizes = [1, 512], strides = [1, 1]} : vector<32x512xf32> to vector<1x512xf32>
    %sub3A_475 = vector.broadcast %slice3A_473 : vector<256x1xf32> to vector<256x512xf32>
    %sub3A_476 = vector.broadcast %slice3A_474 : vector<1x512xf32> to vector<256x512xf32>
    %sub3A_477 = arith.subf %sub3A_475, %sub3A_476 : vector<256x512xf32>
    %mul3A_478 = arith.mulf %sub3A_477, %sub3A_477 : vector<256x512xf32>
    %add3A_479 = arith.addf %add3A_472, %mul3A_478 : vector<256x512xf32>
    %slice3A_480 = vector.extract_strided_slice %max3A_24 {offsets = [0, 31], sizes = [256, 1], strides = [1, 1]} : vector<256x32xf32> to vector<256x1xf32>
    %slice3A_481 = vector.extract_strided_slice %get3A_260 {offsets = [31, 0], sizes = [1, 512], strides = [1, 1]} : vector<32x512xf32> to vector<1x512xf32>
    %sub3A_482 = vector.broadcast %slice3A_480 : vector<256x1xf32> to vector<256x512xf32>
    %sub3A_483 = vector.broadcast %slice3A_481 : vector<1x512xf32> to vector<256x512xf32>
    %sub3A_484 = arith.subf %sub3A_482, %sub3A_483 : vector<256x512xf32>
    %mul3A_485 = arith.mulf %sub3A_484, %sub3A_484 : vector<256x512xf32>
    %add3A_486 = arith.addf %add3A_479, %mul3A_485 : vector<256x512xf32>
    %reduce_min3A_487 = arith.constant dense<0x7F800000> : vector<256xf32>
    %reduce_min3A_488 = vector.multi_reduction <minimumf>, %add3A_486, %reduce_min3A_487 [1] : vector<256x512xf32> to vector<256xf32>
    %broadcast_in_dim3A_489 = vector.shape_cast %reduce_min3A_488 : vector<256xf32> to vector<256x1xf32>
    %iota3A_490 = tpu.iota {dimensions = array<i32: 1>} : vector<256x512xi32>
    %eq3A_491 = vector.broadcast %broadcast_in_dim3A_489 : vector<256x1xf32> to vector<256x512xf32>
    %eq3A_492 = arith.cmpf oeq, %add3A_486, %eq3A_491 : vector<256x512xf32>
    %jit3A_493 = arith.constant 512 : i32
    %broadcast_in_dim3A_494 = vector.broadcast %jit3A_493 : i32 to vector<256x512xi32>
    %select_n3A_495 = arith.select %eq3A_492, %iota3A_490, %broadcast_in_dim3A_494 : vector<256x512xi1>, vector<256x512xi32>
    %reduce_min3A_496 = arith.constant dense<2147483647> : vector<256xi32>
    %reduce_min3A_497 = vector.multi_reduction <minsi>, %select_n3A_495, %reduce_min3A_496 [1] : vector<256x512xi32> to vector<256xi32>
    %get3A_498 = arith.constant 0 : index
    %get3A_499 = arith.constant 0 : index
    %get3A_500 = vector.load %arg8[%get3A_498, %get3A_499] : memref<256x1xi32, #tpu.memory_space<vmem>>, vector<256x1xi32>
    %squeeze3A = vector.shape_cast %get3A_500 : vector<256x1xi32> to vector<256xi32>
    %eq3A_501 = arith.constant 0 : i32
    %eq3A_502 = vector.broadcast %eq3A_501 : i32 to vector<256xi32>
    %eq3A_503 = arith.cmpi eq, %squeeze3A, %eq3A_502 : vector<256xi32>
    %add3A_504 = arith.constant 512 : i32
    %add3A_505 = vector.broadcast %add3A_504 : i32 to vector<256xi32>
    %add3A_506 = arith.addi %add3A_505, %reduce_min3A_497 : vector<256xi32>
    %select_n3A_507 = arith.select %eq3A_503, %reduce_min3A_257, %add3A_506 : vector<256xi1>, vector<256xi32>
    %broadcast_in_dim3A_508 = vector.shape_cast %select_n3A_507 : vector<256xi32> to vector<256x1xi32>
    %swap3A_509 = arith.constant 0 : index
    %swap3A_510 = arith.constant 0 : index
    %swap3A_511 = vector.load %arg10[%swap3A_509, %swap3A_510] : memref<256x1xi32, #tpu.memory_space<vmem>>, vector<256x1xi32>
    tpu.vector_store %arg10[%swap3A_509, %swap3A_510], %broadcast_in_dim3A_508 {strides = array<i32>} : memref<256x1xi32, #tpu.memory_space<vmem>>, vector<256x1xi32>,
    return
  }
  func.func @transform_0(%arg0: i32) -> (i32, i32) {
    %c0_i32 = arith.constant 0 : i32
    %c0_i32_0 = arith.constant 0 : i32
    return %arg0, %c0_i32 : i32, i32
  }
  func.func @transform_1(%arg0: i32) -> (i32, i32) {
    %c0_i32 = arith.constant 0 : i32
    %c0_i32_0 = arith.constant 0 : i32
    %c0_i32_1 = arith.constant 0 : i32
    return %c0_i32, %c0_i32_0 : i32, i32
  }
  func.func @transform_2(%arg0: i32) -> (i32, i32) {
    %c0_i32 = arith.constant 0 : i32
    %c0_i32_0 = arith.constant 0 : i32
    %c0_i32_1 = arith.constant 0 : i32
    return %c0_i32, %c0_i32_0 : i32, i32
  }
  func.func @transform_3(%arg0: i32) -> (i32, i32) {
    %c0_i32 = arith.constant 0 : i32
    %c0_i32_0 = arith.constant 0 : i32
    %c0_i32_1 = arith.constant 0 : i32
    return %c0_i32, %c0_i32_0 : i32, i32
  }
  func.func @transform_4(%arg0: i32) -> (i32, i32) {
    %c0_i32 = arith.constant 0 : i32
    %c0_i32_0 = arith.constant 0 : i32
    %c0_i32_1 = arith.constant 0 : i32
    return %c0_i32, %c0_i32_0 : i32, i32
  }
  func.func @transform_5(%arg0: i32) -> (i32, i32) {
    %c0_i32 = arith.constant 0 : i32
    %c0_i32_0 = arith.constant 0 : i32
    %c0_i32_1 = arith.constant 0 : i32
    return %c0_i32, %c0_i32_0 : i32, i32
  }
  func.func @transform_6(%arg0: i32) -> (i32, i32) {
    %c0_i32 = arith.constant 0 : i32
    %c0_i32_0 = arith.constant 0 : i32
    %c0_i32_1 = arith.constant 0 : i32
    return %c0_i32, %c0_i32_0 : i32, i32
  }
  func.func @transform_7(%arg0: i32) -> (i32, i32) {
    %c0_i32 = arith.constant 0 : i32
    %c0_i32_0 = arith.constant 0 : i32
    return %arg0, %c0_i32 : i32, i32
  }
  func.func @transform_8(%arg0: i32) -> (i32, i32) {
    %c0_i32 = arith.constant 0 : i32
    %c0_i32_0 = arith.constant 0 : i32
    return %arg0, %c0_i32 : i32, i32
  }
  func.func @transform_9(%arg0: i32) -> (i32, i32) {
    %c0_i32 = arith.constant 0 : i32
    %c0_i32_0 = arith.constant 0 : i32
    return %arg0, %c0_i32 : i32, i32
  }
}

module attributes {stable_mosaic.version = 14 : i64} {
  func.func @_table_body(%arg0: i32, %arg1: memref<256x32xf32, #tpu.memory_space<vmem>>, %arg2: memref<32x10000xf32, #tpu.memory_space<vmem>>, %arg3: memref<1x10000xf32, #tpu.memory_space<vmem>>, %arg4: memref<10000x32xf32, #tpu.memory_space<vmem>>, %arg5: memref<1x32xf32, #tpu.memory_space<vmem>>, %arg6: memref<256x128xf32, #tpu.memory_space<vmem>>) attributes {dimension_semantics = [#tpu.dimension_semantics<arbitrary>], iteration_bounds = array<i64: 4>, scalar_prefetch = 0 : i64, scratch_operands = 0 : i64, tpu.core_type = #tpu.core_type<tc>, window_params = [{transform_indices = @transform_0, window_bounds = array<i64: 256, 32>}, {pipeline_mode = #tpu.pipeline_mode<synchronous>, transform_indices = @transform_1, window_bounds = array<i64: 32, 10000>}, {pipeline_mode = #tpu.pipeline_mode<synchronous>, transform_indices = @transform_2, window_bounds = array<i64: 1, 10000>}, {pipeline_mode = #tpu.pipeline_mode<synchronous>, transform_indices = @transform_3, window_bounds = array<i64: 10000, 32>}, {pipeline_mode = #tpu.pipeline_mode<synchronous>, transform_indices = @transform_4, window_bounds = array<i64: 1, 32>}, {transform_indices = @transform_5, window_bounds = array<i64: 256, 128>}]} {
    %get3A = arith.constant 0 : index
    %get3A_0 = arith.constant 0 : index
    %get3A_1 = vector.load %arg1[%get3A, %get3A_0] : memref<256x32xf32, #tpu.memory_space<vmem>>, vector<256x32xf32>
    %get3A_2 = arith.constant 0 : index
    %get3A_3 = arith.constant 0 : index
    %get3A_4 = vector.load %arg2[%get3A_2, %get3A_3] : memref<32x10000xf32, #tpu.memory_space<vmem>>, vector<32x10000xf32>
    %dot_general3A = arith.constant dense<0.000000e+00> : vector<256x10000xf32>
    %dot_general3A_5 = tpu.matmul %get3A_1, %get3A_4, %dot_general3A {dimension_numbers = #tpu.dot_dimension_numbers<[1], [0], [0], [1], [0, 0, 1, 1], [], []>, transpose_lhs_hint = false} : vector<256x32xf32>, vector<32x10000xf32>, vector<256x10000xf32> -> vector<256x10000xf32>
    %get3A_6 = arith.constant 0 : index
    %get3A_7 = arith.constant 0 : index
    %get3A_8 = vector.load %arg3[%get3A_6, %get3A_7] : memref<1x10000xf32, #tpu.memory_space<vmem>>, vector<1x10000xf32>
    %add3A = vector.broadcast %get3A_8 : vector<1x10000xf32> to vector<256x10000xf32>
    %add3A_9 = arith.addf %dot_general3A_5, %add3A : vector<256x10000xf32>
    %max3A = arith.constant 0.000000e+00 : f32
    %max3A_10 = vector.broadcast %max3A : f32 to vector<256x10000xf32>
    %max3A_11 = arith.maximumf %add3A_9, %max3A_10 : vector<256x10000xf32>
    %get3A_12 = arith.constant 0 : index
    %get3A_13 = arith.constant 0 : index
    %get3A_14 = vector.load %arg4[%get3A_12, %get3A_13] : memref<10000x32xf32, #tpu.memory_space<vmem>>, vector<10000x32xf32>
    %dot_general3A_15 = arith.constant dense<0.000000e+00> : vector<256x32xf32>
    %dot_general3A_16 = tpu.matmul %max3A_11, %get3A_14, %dot_general3A_15 {dimension_numbers = #tpu.dot_dimension_numbers<[1], [0], [0], [1], [0, 0, 1, 1], [], []>, transpose_lhs_hint = false} : vector<256x10000xf32>, vector<10000x32xf32>, vector<256x32xf32> -> vector<256x32xf32>
    %get3A_17 = arith.constant 0 : index
    %get3A_18 = arith.constant 0 : index
    %get3A_19 = vector.load %arg5[%get3A_17, %get3A_18] : memref<1x32xf32, #tpu.memory_space<vmem>>, vector<1x32xf32>
    %add3A_20 = vector.broadcast %get3A_19 : vector<1x32xf32> to vector<256x32xf32>
    %add3A_21 = arith.addf %dot_general3A_16, %add3A_20 : vector<256x32xf32>
    %broadcast_in_dim3A = arith.constant 0.000000e+00 : f32
    %broadcast_in_dim3A_22 = vector.broadcast %broadcast_in_dim3A : f32 to vector<256x96xf32>
    %concatenate3A = tpu.concatenate %add3A_21, %broadcast_in_dim3A_22 in 1 : vector<256x32xf32>, vector<256x96xf32> -> vector<256x128xf32>
    %swap3A = arith.constant 0 : index
    %swap3A_23 = arith.constant 0 : index
    %swap3A_24 = vector.load %arg6[%swap3A, %swap3A_23] : memref<256x128xf32, #tpu.memory_space<vmem>>, vector<256x128xf32>
    tpu.vector_store %arg6[%swap3A, %swap3A_23], %concatenate3A {strides = array<i32>} : memref<256x128xf32, #tpu.memory_space<vmem>>, vector<256x128xf32>,
    return
  }
  func.func @transform_0(%arg0: i32) -> (i32, i32) {
    %c0_i32 = arith.constant 0 : i32
    %c0_i32_0 = arith.constant 0 : i32
    return %arg0, %c0_i32 : i32, i32
  }
  func.func @transform_1(%arg0: i32) -> (i32, i32) {
    %c0_i32 = arith.constant 0 : i32
    %c0_i32_0 = arith.constant 0 : i32
    %c0_i32_1 = arith.constant 0 : i32
    return %c0_i32, %c0_i32_0 : i32, i32
  }
  func.func @transform_2(%arg0: i32) -> (i32, i32) {
    %c0_i32 = arith.constant 0 : i32
    %c0_i32_0 = arith.constant 0 : i32
    %c0_i32_1 = arith.constant 0 : i32
    return %c0_i32, %c0_i32_0 : i32, i32
  }
  func.func @transform_3(%arg0: i32) -> (i32, i32) {
    %c0_i32 = arith.constant 0 : i32
    %c0_i32_0 = arith.constant 0 : i32
    %c0_i32_1 = arith.constant 0 : i32
    return %c0_i32, %c0_i32_0 : i32, i32
  }
  func.func @transform_4(%arg0: i32) -> (i32, i32) {
    %c0_i32 = arith.constant 0 : i32
    %c0_i32_0 = arith.constant 0 : i32
    %c0_i32_1 = arith.constant 0 : i32
    return %c0_i32, %c0_i32_0 : i32, i32
  }
  func.func @transform_5(%arg0: i32) -> (i32, i32) {
    %c0_i32 = arith.constant 0 : i32
    %c0_i32_0 = arith.constant 0 : i32
    return %arg0, %c0_i32 : i32, i32
  }
}

</mosaic_0001>

<sc_bundles>
// kernel: kernel.5.cloned.1.call-start
scs
__scs_entry_jumppad:
0x0: {  	(pc) =	sbr.rel $0x88, $3  }
0x1: {  	(tag) =	ssettag $0x0;
	lr =	simm.s32 $0x1  }
0x2: {  	[smem:$0x3F95] =	sst lr;
	_ =	strace $0xD0000000  }
0x3: {  	_ = 	snop  }
0x4: {  	_ = 	snop  }
0x5: {  	_ = 	snop  }
0x6: {  	_ = 	snop  }
0x7: {  	_ = 	snop  }
__scs_overlays_trampoline_lowered:
0x8: {  	[smem:$0x3FA4] =	sst s0  }
0x9: {  	[smem:$0x3FA5] =	sst s1  }
0xa: {  	[smem:$0x3FA6] =	sst s2  }
0xb: {  	[smem:$0x3FA7] =	sst s3  }
0xc: {  	[smem:$0x3FA8] =	sst s4  }
0xd: {  	[smem:$0x3FA9] =	sst s5  }
0xe: {  	[smem:$0x3FAA] =	sst s6  }
0xf: {  	[smem:$0x3FAB] =	sst s7  }
0x10: {  	[smem:$0x3FAC] =	sst s8  }
0x11: {  	[smem:$0x3FAD] =	sst s9;
	s0 =	simm.s32 @!p0 $0x0  }
0x12: {  	s1 =	sld [smem:$0x3F93];
	s0 =	simm.s32 @p0 $0x1  }
0x13: {  	[smem:$0x3FAE] =	sst s0;
	s0 =	simm.s32 @!p1 $0x0  }
0x14: {  	s2 =	sld [smem:$0x3F92];
	s0 =	simm.s32 @p1 $0x1  }
0x15: {  	[smem:$0x3FAF] =	sst s0;
	s0 =	simm.s32 @!p2 $0x0  }
0x16: {  	s3 =	sld [smem:$0x3FDB];
	s0 =	simm.s32 @p2 $0x1  }
0x17: {  	s4 =	simm.s32 $0x1BF5;
	[smem:$0x3FB1] =	sst s0  }
0x18: {  	s0 =	sld [smem:$0x3F94];
	_ =	swait.ge [sflag:s4], $0x0  }
0x19: {  	s7 =	sld [smem:$0x3F95]  }
0x1a: {  	s8 =	sadd.s32 $0xFFFFE003, lr  }
0x1b: {  	s9 =	sadd.s32 $0xFFFFFEF7, lr;
	s5 =	simm.s32 $0xFFFFFFFF;
	p2 =	slt.u32 s8, $0xFFFFF086  }
0x1c: {  	p1 =	slt.u32 s9, $0xF7A;
	s5 =	simm.s32 @!p2 $0x0  }
0x1d: {  	s5 =	simm.s32 @p1 $0x1;
	p0 =	seq.s32 s7, s2  }
0x1e: {  	s7 =	smul.u32 @!p0 $0xF7A, s2;
	p2 =	seq.s32 @!p0 s5, $0x0  }
0x1f: {  	s9 =	smul.u32 $0xF7A, s1;
	s8 =	simm.s32 @!p0 $0x1BF5;
	p2 =	por !p2, p0  }
0x20: {  	[sflag:s8] =	ssyncset.s32 @!p0 $0xFFFFF086;
	s6 =	sadd.s32 @!p0 s3, s7;
	s7 =	simm.s32 @!p0 $0x108  }
0x21: {  	s3 =	sadd.s32 s3, s9;
	s6 =	sadd.s32 @!p0 $0x88, s6;
	s7 =	simm.s32 @p2 $0x1082  }
0x22: {  	[simem:s7], [sflag:s8] =	dma.local @!p0 [hbm:s6], $0xF7A  }
0x23: {  	s9 =	sor.u32 $0xD0000000, s2;
	s6 =	simm.s32 $0x108;
	_ =	swait.ge @!p0 [sflag:s8], $0x0  }
0x24: {  	s3 =	sadd.s32 $0x88, s3;
	s6 =	simm.s32 @!p1 $0x1082;
	[sflag:s4] =	ssyncset.s32 $0xFFFFF086  }
0x25: {  	[simem:s6], [sflag:s4] =	dma.local [hbm:s3], $0xF7A  }
0x26: {  	[smem:$0x3F95] =	sst s1;
	(tag) =	ssettag s2;
	_ =	strace s9  }
0x27: {  	s1 =	sld [smem:$0x3FA5]  }
0x28: {  	s2 =	sld [smem:$0x3FA6]  }
0x29: {  	s4 =	sld [smem:$0x3FA8]  }
0x2a: {  	p0 =	seq.s32 s5, $0x0;
	s5 =	sld [smem:$0x3FA9]  }
0x2b: {  	s6 =	sld [smem:$0x3FAA]  }
0x2c: {  	s7 =	sld [smem:$0x3FAB]  }
0x2d: {  	s3 =	simm.s32 $0x108;
	s8 =	sld [smem:$0x3FAC]  }
0x2e: {  	s3 =	simm.s32 @!p0 $0x1082;
	s9 =	sld [smem:$0x3FAD]  }
0x2f: {  	lr =	sadd.s32 s0, s3;
	s0 =	sld [smem:$0x3FA4]  }
0x30: {  	s3 =	sld [smem:$0x3FA7]  }
0x31: {  	[smem:$0x3FB0] =	sst s10  }
0x32: {  	s10 =	sld [smem:$0x3FAE];
	_ =	sdelay $0x3  }
0x33: {  	p0 =	seq.s32 s10, $0x1;
	s10 =	sld [smem:$0x3FB0];
	_ =	sdelay $0x3  }
0x34: {  	[smem:$0x3FB0] =	sst s10  }
0x35: {  	s10 =	sld [smem:$0x3FAF];
	_ =	sdelay $0x3  }
0x36: {  	p1 =	seq.s32 s10, $0x1;
	s10 =	sld [smem:$0x3FB0];
	_ =	sdelay $0x3  }
0x37: {  	[smem:$0x3FB0] =	sst s10  }
0x38: {  	s10 =	sld [smem:$0x3FB1]  }
0x39: {  	_ = 	snop;
	(pc) =	sbr.ind lr, $3  }
0x3a: {  	_ = 	snop  }
0x3b: {  	_ = 	snop  }
0x3c: {  	p2 =	seq.s32 s10, $0x1;
	s10 =	sld [smem:$0x3FB0]  }
0x3d: {  	_ =	shalt  }
0x3e: {  	_ =	shalt  }
0x3f: {  	_ =	shalt  }
0x40: {  	_ =	shalt  }
0x41: {  	_ =	shalt  }
0x42: {  	_ =	shalt  }
0x43: {  	_ =	shalt  }
0x44: {  	_ =	shalt  }
0x45: {  	_ =	shalt  }
0x46: {  	_ =	shalt  }
0x47: {  	_ =	shalt  }
0x48: {  	_ =	shalt  }
0x49: {  	_ =	shalt  }
0x4a: {  	_ =	shalt  }
0x4b: {  	_ =	shalt  }
0x4c: {  	_ =	shalt  }
0x4d: {  	_ =	shalt  }
0x4e: {  	_ =	shalt  }
0x4f: {  	_ =	shalt  }
0x50: {  	_ =	shalt  }
0x51: {  	_ =	shalt  }
0x52: {  	_ =	shalt  }
0x53: {  	_ =	shalt  }
0x54: {  	_ =	shalt  }
0x55: {  	_ =	shalt  }
0x56: {  	_ =	shalt  }
0x57: {  	_ =	shalt  }
0x58: {  	_ =	shalt  }
0x59: {  	_ =	shalt  }
0x5a: {  	_ =	shalt  }
0x5b: {  	_ =	shalt  }
0x5c: {  	_ =	shalt  }
0x5d: {  	_ =	shalt  }
0x5e: {  	_ =	shalt  }
0x5f: {  	_ =	shalt  }
0x60: {  	_ =	shalt  }
0x61: {  	_ =	shalt  }
0x62: {  	_ =	shalt  }
0x63: {  	_ =	shalt  }
0x64: {  	_ =	shalt  }
0x65: {  	_ =	shalt  }
0x66: {  	_ =	shalt  }
0x67: {  	_ =	shalt  }
0x68: {  	_ =	shalt  }
0x69: {  	_ =	shalt  }
0x6a: {  	_ =	shalt  }
0x6b: {  	_ =	shalt  }
0x6c: {  	_ =	shalt  }
0x6d: {  	_ =	shalt  }
0x6e: {  	_ =	shalt  }
0x6f: {  	_ =	shalt  }
0x70: {  	_ =	shalt  }
0x71: {  	_ =	shalt  }
0x72: {  	_ =	shalt  }
0x73: {  	_ =	shalt  }
0x74: {  	_ =	shalt  }
0x75: {  	_ =	shalt  }
0x76: {  	_ =	shalt  }
0x77: {  	_ =	shalt  }
0x78: {  	_ =	shalt  }
0x79: {  	_ =	shalt  }
0x7a: {  	_ =	shalt  }
0x7b: {  	_ =	shalt  }
0x7c: {  	_ =	shalt  }
0x7d: {  	_ =	shalt  }
0x7e: {  	_ =	shalt  }
0x7f: {  	_ =	shalt  }
0x80: {  	_ =	shalt  }
0x81: {  	_ =	shalt  }
0x82: {  	_ =	shalt  }
0x83: {  	_ =	shalt  }
0x84: {  	_ =	shalt  }
0x85: {  	_ =	shalt  }
0x86: {  	_ =	shalt  }
0x87: {  	_ =	shalt  }
.Lfunc_end0:
.L_simem_size_0:
called_computation_lowered:
.L_overlay_start_0:
0x88: {  	s2 =	sld [smem:$0x3FD9]  }
0x89: {  	s3 =	sld [smem:$0x3FFE];
	_ =	sdelay $0x1  }
0x8a: {  	s1 =	srdreg.scid  }
0x8b: {  	s0 =	sand.u32 $0x1, s1  }
0x8c: {  	s14 =	sshll.u32 s0, $0xA;
	s2 =	sadd.s32 s3, s2  }
0x8d: {  	s2 =	sadd.s32 s2, s14  }
0x8e: {  	[smem:$0x3FBC] =	sst s2  }
0x8f: {  	_ = 	snop  }
0x90: {  	s2 =	sld [smem:$0x3FD0];
	_ =	sdelay $0x2  }
0x91: {  	s15 =	simm.s32 $0xA;
	s4 =	simm.s32 $0x10  }
0x92: {  	[smem:s4], [sflag:s15] =	dma.local [hbm:s2], $0x1  }
0x93: {  	_ =	swait.eq [sflag:s15], $0x1  }
0x94: {  	[sflag:s15] =	ssyncset.done $0x0  }
0x95: {  	[sflag:s15] =	ssyncadd.s32 $0xFFFFFFFF  }
0x96: {  	s16 =	sld [smem:$0x11];
	(tm) =	ssettm $0x1  }
0x97: {  	s17 =	sld [smem:$0x3FFB];
	_ =	sdelay $0x3  }
0x98: {  	_ =	strace s17  }
0x99: {  	s3 =	sld [smem:$0x3FFC];
	_ =	sdelay $0x3  }
0x9a: {  	_ =	strace s3  }
0x9b: {  	s3 =	sld [smem:$0x3FFD];
	_ =	sdelay $0x3  }
0x9c: {  	_ =	strace s3  }
0x9d: {  	_ =	strace $0x8FFFFFFF  }
0x9e: {  	s18 =	sld [smem:$0x3FDB];
	_ =	sdelay $0x1  }
0x9f: {  	s19 =	simm.s32 $_scs_section_size  }
0xa0: {  	s5 =	simm.s32 $_size__tile_overlayer_lowered;
	s6 =	simm.s32 $_tile_overlayer_lowered  }
0xa1: {  	s22 =	simm.s32 $0x1BFF;
	s21 =	sshll.u32 s6, $0x1;
	s3 =	sadd.s32 s19, s18  }
0xa2: {  	s7 =	simm.s32 $0x0;
	s20 =	sshll.u32 s5, $0x1;
	s5 =	sadd.s32 s21, s3  }
0xa3: {  	[timem:s7], [sflag:s22] =	dma.local [hbm:s5], s20  }
0xa4: {  	_ =	swait.ge [sflag:s22], s20  }
0xa5: {  	s4 =	ssub.s32 $0x0, s20;
	[sflag:s22] =	ssyncset.done $0x0  }
0xa6: {  	[sflag:s22] =	ssyncadd.s32 s4;
	_ =	sdelay $0x1  }
0xa7: {  	s23 =	simm.s32 $0x1B8B  }
0xa8: {  	_ =	swait.ge [sflag:s23], $0x1  }
0xa9: {  	[sflag:s23] =	ssyncset.done $0x0  }
0xaa: {  	s25 =	simm.s32 $0x1B8E;
	s24 =	sld [smem:$0x3FFE];
	[sflag:s23] =	ssyncadd.s32 $0xFFFFFFFF  }
0xab: {  	s26 =	simm.s32 $execute0_lowered;
	[smem:$0x3FD2] =	sst s25  }
0xac: {  	s5 =	sshll.u32 s26, $0x1;
	_ =	strace $0x80000046;
	[dreg:$0x1] =	wrdreg $0xFFFFFFFF  }
0xad: {  	s28 =	simm.s32 $_size_execute0_lowered;
	s3 =	sadd.s32 s3, s5;
	[dreg:$0x0] =	wrdreg $0x0  }
0xae: {  	s5 =	sshll.u32 s28, $0x1;
	[dreg:$0x2] =	wrdreg s3  }
0xaf: {  	[dreg:$0x3] =	wrdreg s5  }
0xb0: {  	[dreg:$0x4] =	wrdreg $0xC0  }
0xb1: {  	_ =	task [dreg:s7], $0x5FFFF  }
0xb2: {  	[dreg:$0x1] =	wrdreg $0xFFFFFFFF  }
0xb3: {  	[dreg:$0x0] =	wrdreg $0x60  }
0xb4: {  	[dreg:$0x2] =	wrdreg s16  }
0xb5: {  	[dreg:$0x3] =	wrdreg s24  }
0xb6: {  	[dreg:$0x4] =	wrdreg $0x9  }
0xb7: {  	_ =	task.clear_ibuf [dreg:s7], $0x5FFFF;
	_ =	strace $0x90000046  }
0xb8: {  	s29 =	simm.s32 $0x9;
	_ =	strace $0x80000048  }
0xb9: {  	_ =	swait.ge [sflag:s29], $0x1  }
0xba: {  	[sflag:s29] =	ssyncadd.s32 $0xFFFFFFFF  }
0xbb: {  	_ =	strace $0x90000048  }
0xbc: {  	_ =	sfence  }
0xbd: {  	s30 =	sld [smem:$0x0];
	_ =	sdelay $0x2  }
0xbe: {  	s31 =	sshll.u32 s1, $0xD;
	s1 =	sshrl.u32 s1, $0x2  }
0xbf: {  	s3 =	sand.u32 $0x4000, s31;
	s1 =	sadd.s32 s1, s30  }
0xc0: {  	s0 =	sor.u32 s3, s0;
	s1 =	sshll.u32 s1, $0x11  }
0xc1: {  	s0 =	sor.u32 s1, s0  }
0xc2: {  	s0 =	sadd.s32 $0x8F2B, s0  }
0xc3: {  	[sflag:s0] =	ssyncadd.remote.s32 $0x1  }
0xc4: {  	_ =	sfence.sel $0xFFFF  }
0xc5: {  	[dreg:$0x0] =	wrdreg $0xFFFFFFFF;
	(pc) =	sbr.abs _section_cstart, $3  }
0xc6: {  	[dreg:$0x1] =	wrdreg $0xFFFFFFFF  }
0xc7: {  	_ =	task.clear_ibuf [dreg:s7], $0x2FFFF;
	_ =	strace $0x9FFFFFFF  }
0xc8: {  	(tm) =	ssettm $0x7FFFFFFF  }
0xc9: {  	_ =	shalt  }
tec
execute0_lowered:
.L_overlay_start_1:
0x0: {  	(tag) =	ssettag $0x1  }
0x1: {  	s1 =	srdreg.scid  }
0x2: {  	s0 =	stileid.u32;
	s6 =	sand.u32 $0x1, s1  }
0x3: {  	s2 =	rddreg [dreg:$0x0];
	s30 =	sshll.u32 s0, $0x8;
	s3 =	sshll.u32 s6, $0x7  }
0x4: {  	s8 =	rddreg [dreg:$0x1];
	s7 =	simm.s32 $0x1;
	s9 =	sor.u32 s3, s30  }
0x5: {  	s1 =	rddreg [dreg:$0x2];
	s3 =	simm.s32 $0x0;
	s4 =	sshrl.u32 s9, $0x3  }
0x6: {  	s10 =	ssub.s32 $0x2, s6;
	[smem:$0x7FF] =	sst s3;
	s4 =	sadd.s32 s4, s8  }
0x7: {  	_ =	strace $0x80000047;
	s5 =	sadd.s32 $0x2000, s4;
	s4 =	simm.s32 $0x2  }
0x8: {  	[tilespmem:s3], [sflag:$0x2] =	stream.linear.gather [hbm4b:s5+s3], $0x80, $0x38;
	[tilespmem:$0x4080] =	vst v63  }
0x9: {  	s6 =	simm.s32 $0x80;
	s11 =	sshrl.u32 s10, $0x1;
	_ =	swait.ge [sflag:s4], $0x80  }
0xa: {  	s9 =	sshll.u32 s9, $0x4;
	s31 =	ssub.s32 s10, s11;
	[sflag:s4] =	ssyncset.done $0x0  }
0xb: {  	s8 =	sadd.s32 s9, s8;
	s9 =	smax.u32 s31, $0x1;
	[sflag:s4] =	ssyncadd.s32 $0xFFFFFF80  }
0xc: {  	[tilespmem:s6], [sflag:$0x1] =	stream.indirect.gather [hbm4b:s2+s6], $0x80, s3, s6, $0xb8;
	[tilespmem:$0x4080] =	vst v63  }
0xd: {  	p0 =	sne.s32 s9, $0x1;
	_ =	swait.ge [sflag:s7], $0x4000  }
.Ltmp0:
0xe: {  	[sflag:s7] =	ssyncset.done $0x0;
	(pc) =	sbr.rel @!p0 .LBB2_2-.Ltmp0, $4  }
0xf: {  	s8 =	sadd.s32 $0x2200, s8;
	[sflag:s7] =	ssyncadd.s32 $0xFFFFC000  }
0x10: {  	[hbm4b:s8+s3] =	stream.linear.scatter [tilespmem:s6], [sflag:$0x2], $0x4000, $0x38;
	[tilespmem:$0x4080] =	vst v63  }
0x11: {  	_ =	swait.ge [sflag:s4], $0x4000  }
0x12: {  	s9 =	sadd.s32 $0xFFFFFFFF, s9;
	[sflag:s4] =	ssyncset.done $0x0  }
.LBB2_1:
0x13: {  	p0 =	sne.s32 s9, $0x1;
	s9 =	sadd.s32 $0xFFFFFFFF, s9;
	[sflag:s4] =	ssyncadd.s32 $0xFFFFC000  }
0x14: {  	[tilespmem:s3], [sflag:$0x2] =	stream.linear.gather [hbm4b:s5+s3], $0x80, $0x38;
	[tilespmem:$0x4080] =	vst v63  }
0x15: {  	_ =	swait.ge [sflag:s4], $0x80  }
0x16: {  	[sflag:s4] =	ssyncset.done $0x0  }
0x17: {  	[sflag:s4] =	ssyncadd.s32 $0xFFFFFF80  }
0x18: {  	[tilespmem:s6], [sflag:$0x1] =	stream.indirect.gather [hbm4b:s2+s6], $0x80, s3, s6, $0xb8;
	[tilespmem:$0x4080] =	vst v63  }
0x19: {  	_ =	swait.ge [sflag:s7], $0x4000  }
.Ltmp1:
0x1a: {  	[sflag:s7] =	ssyncset.done $0x0;
	(pc) =	sbr.rel @p0 .LBB2_1-.Ltmp1, $4  }
0x1b: {  	[sflag:s7] =	ssyncadd.s32 $0xFFFFC000  }
0x1c: {  	[hbm4b:s8+s3] =	stream.linear.scatter [tilespmem:s6], [sflag:$0x2], $0x4000, $0x38;
	[tilespmem:$0x4080] =	vst v63  }
0x1d: {  	_ =	swait.ge [sflag:s4], $0x4000  }
0x1e: {  	[sflag:s4] =	ssyncset.done $0x0  }
.LBB2_2:
0x1f: {  	[sflag:s4] =	ssyncadd.s32 $0xFFFFC000  }
0x20: {  	_ =	sfence.sel $0x180000  }
0x21: {  	[bflag:$0x0] =	sbarrier.arrive $0xFFFF  }
0x22: {  	p0 =	sne.s32 s0, $0x0;
	_ =	strace $0x90000047  }
0x23: {  	s0 =	sadd.s32 @!p0 $0x100000, s1;
	[bflag:$0x2] =	sbarrier.arrive $0xFFFF  }
0x24: {  	[sflag:s0] =	ssyncadd.tile.s32 @!p0 $0x1;
	_ =	shalt  }
.Lfunc_end2:
_tile_overlayer_lowered:
.L_overlay_start_2:
0x25: {  	(tag) =	ssettag $0x2  }
0x26: {  	s0 =	rddreg [dreg:$0x0];
	s2 =	stileid.u32  }
0x27: {  	s1 =	rddreg [dreg:$0x1];
	p0 =	sne.s32 s2, $0x0  }
0x28: {  	s3 =	rddreg [dreg:$0x2];
	[bflag:$0x3] =	sbarrier.arrive $0xFFFF;
	s2 =	simm.s32 @!p0 $0x1C02  }
0x29: {  	[timem:s3], [sflag:s2] =	dma.local @!p0 [hbm:s0], s1  }
0x2a: {  	s0 =	simm.s32 @!p0 $0x2  }
0x2b: {  	_ =	swait.ge @!p0 [sflag:s0], s1  }
0x2c: {  	s1 =	ssub.s32 @!p0 $0x0, s1;
	[sflag:s0] =	ssyncset.done @!p0 $0x0  }
0x2d: {  	[sflag:s0] =	ssyncadd.s32 @!p0 s1  }
0x2e: {  	[bflag:$0x3] =	sbarrier.arrive $0xFFFF  }
0x2f: {  	_ =	shalt  }

</sc_bundles>
